<compile_context>
chip_gen: v7x
topology: tpu7x:2x2x1
jax: 0.10.2.dev20260603
libtpu: 0.0.44.dev20260713+nightly
codegen_flags: <defaults>
</compile_context>

<pallas_src>
import functools

import jax
import jax.numpy as jnp
from jax import lax
from jax.experimental import pallas as pl
from jax.experimental.pallas import tpu as pltpu
from jax.experimental.pallas import tpu_sc as plsc

N = 10000
E = 320000
D = 128
NPAD = 10240
STRIPE = NPAD // 16
NTILES = 32
EPT = E // NTILES
C = 80
EPTP = 10000
NCH = EPTP // C

f32 = jnp.float32
_mesh = plsc.VectorSubcoreMesh(core_axis_name="c", subcore_axis_name="s")


def _make_seg_kernel(with_q):
  out_type = [
      jax.ShapeDtypeStruct((2, NPAD, D), f32),
      jax.ShapeDtypeStruct((2, NPAD), f32),
  ]
  scratch_types = (
      [pltpu.VMEM((NCH, C), jnp.int32),
       pltpu.VMEM((NCH, C), jnp.int32),
       pltpu.VMEM((C, D), f32),
       pltpu.VMEM((C,), f32),
       pltpu.VMEM_SHARED((NPAD, D), f32),
       pltpu.VMEM_SHARED((NPAD,), f32)] +
      [pltpu.SemaphoreType.DMA for _ in range(2)]
  )

  def body(src_h, dst_h, table_h, w_h, zrows_h, z1_h, ones_h, *refs):
    (rows_out, sca_out, srcv, dstv, rows, vals,
     acc_sh, sca_sh, sem_g, sem_gv) = refs

    c = lax.axis_index("c")
    s = lax.axis_index("s")
    wid = c * 16 + s
    r0 = s * STRIPE
    pltpu.sync_copy(zrows_h, acc_sh.at[pl.ds(r0, STRIPE)])
    pltpu.sync_copy(z1_h, sca_sh.at[pl.ds(r0, STRIPE)])
    pltpu.sync_copy(src_h.at[wid], srcv)
    pltpu.sync_copy(dst_h.at[wid], dstv)
    if not with_q:
      pltpu.sync_copy(ones_h, vals)
    plsc.subcore_barrier()

    def chunk(j, carry):
      g = pltpu.async_copy(table_h.at[srcv.at[j]], rows, sem_g)
      if with_q:
        gv = pltpu.async_copy(w_h.at[dstv.at[j]], vals, sem_gv)
      g.wait()
      pltpu.sync_copy(rows, acc_sh.at[dstv.at[j]], add=True)
      if with_q:
        gv.wait()
        pltpu.sync_copy(vals, sca_sh.at[srcv.at[j]], add=True)
      else:
        pltpu.sync_copy(vals, sca_sh.at[dstv.at[j]], add=True)
      return carry

    lax.fori_loop(0, NCH, chunk, 0)
    plsc.subcore_barrier()
    pltpu.sync_copy(acc_sh.at[pl.ds(r0, STRIPE)],
                    rows_out.at[c, pl.ds(r0, STRIPE)])
    pltpu.sync_copy(sca_sh.at[pl.ds(r0, STRIPE)],
                    sca_out.at[c, pl.ds(r0, STRIPE)])

  return pl.kernel(body, mesh=_mesh, out_type=out_type,
                   scratch_types=scratch_types)


_seg_cnt = _make_seg_kernel(with_q=False)
_seg_q = _make_seg_kernel(with_q=True)


BLK = 2048
NB = NPAD // BLK


def _dot_t(a, b):
  return lax.dot_general(a, b, (((1,), (1,)), ((), ())),
                         preferred_element_type=f32)


def _row_mask(i):
  ridx = i * BLK + lax.broadcasted_iota(jnp.int32, (BLK, 1), 0)
  return ridx < N


def _tc1_body(p, cc, x, wl, b, wr, h_out, inv_out):
  cnt = cc[0, :, :] + cc[1, :, :]
  inv = 1.0 / jnp.maximum(cnt, 1.0)
  mean = (p[0, :, :] + p[1, :, :]) * inv
  h = _dot_t(mean, wl[...]) + b[...] + _dot_t(x[...], wr[...])
  h_out[...] = jnp.maximum(h, 0.0)
  inv_out[...] = jnp.where(_row_mask(pl.program_id(0)), inv, 0.0)


def _tc1(p, cc, x, wl, b, wr):
  row3 = pl.BlockSpec((2, BLK, D), lambda i: (0, i, 0))
  col3 = pl.BlockSpec((2, BLK, 1), lambda i: (0, i, 0))
  row = pl.BlockSpec((BLK, D), lambda i: (i, 0))
  col = pl.BlockSpec((BLK, 1), lambda i: (i, 0))
  full = pl.BlockSpec((D, D), lambda i: (0, 0))
  bias = pl.BlockSpec((1, D), lambda i: (0, 0))
  return pl.pallas_call(
      _tc1_body,
      grid=(NB,),
      in_specs=[row3, col3, row, full, bias, full],
      out_specs=[row, col],
      out_shape=[jax.ShapeDtypeStruct((NPAD, D), f32),
                 jax.ShapeDtypeStruct((NPAD, 1), f32)],
  )(p, cc, x, wl, b, wr)


def _tc2_body(p, inv, h1, qq, w2l, b2, w2r, w3l, b3, w3r,
              out, s1_acc, s2_acc):
  i = pl.program_id(0)
  mean = (p[0, :, :] + p[1, :, :]) * inv[...]
  h2 = jnp.maximum(_dot_t(mean, w2l[...]) + b2[...] + _dot_t(h1[...], w2r[...]),
                   0.0)
  h2 = jnp.where(_row_mask(i), h2, 0.0)
  q = qq[0, :, :] + qq[1, :, :]

  @pl.when(i == 0)
  def _():
    s1_acc[...] = jnp.zeros_like(s1_acc)
    s2_acc[...] = jnp.zeros_like(s2_acc)

  s1_acc[...] += jnp.sum(q * h2, axis=0, keepdims=True)
  s2_acc[...] += jnp.sum(h2, axis=0, keepdims=True)

  @pl.when(i == pl.num_programs(0) - 1)
  def _():
    out[...] = ((_dot_t(s1_acc[...], w3l[...])
                 + _dot_t(s2_acc[...], w3r[...])) * (1.0 / N) + b3[...])


def _tc2(p, inv, h1, qq, w2l, b2, w2r, w3l, b3, w3r):
  row3 = pl.BlockSpec((2, BLK, D), lambda i: (0, i, 0))
  col3 = pl.BlockSpec((2, BLK, 1), lambda i: (0, i, 0))
  row = pl.BlockSpec((BLK, D), lambda i: (i, 0))
  col = pl.BlockSpec((BLK, 1), lambda i: (i, 0))
  full = pl.BlockSpec((D, D), lambda i: (0, 0))
  bias = pl.BlockSpec((1, D), lambda i: (0, 0))
  return pl.pallas_call(
      _tc2_body,
      grid=(NB,),
      in_specs=[row3, col, row, col3,
                full, bias, full, full, bias, full],
      out_specs=pl.BlockSpec((1, D), lambda i: (0, 0)),
      out_shape=jax.ShapeDtypeStruct((1, D), f32),
      scratch_shapes=[pltpu.VMEM((1, D), f32), pltpu.VMEM((1, D), f32)],
      compiler_params=pltpu.CompilerParams(
          dimension_semantics=("arbitrary",)),
  )(p, inv, h1, qq, w2l, b2, w2r, w3l, b3, w3r)


def kernel(x, edge_index, W1l, b1, W1r, W2l, b2, W2r, W3l, b3, W3r):
  ei = edge_index.astype(jnp.int32)
  npad_e = EPTP - EPT
  src = jnp.concatenate(
      [ei[0].reshape(NTILES, EPT),
       jnp.zeros((NTILES, npad_e), jnp.int32)], axis=1).reshape(NTILES, NCH, C)
  dst = jnp.concatenate(
      [ei[1].reshape(NTILES, EPT),
       jnp.full((NTILES, npad_e), NPAD - 1, jnp.int32)],
      axis=1).reshape(NTILES, NCH, C)
  zrows = jnp.zeros((STRIPE, D), f32)
  z1 = jnp.zeros((STRIPE,), f32)
  ones = jnp.ones((C,), f32)
  wdummy = jnp.zeros((NPAD,), f32)

  x_p = jnp.concatenate([x, jnp.zeros((NPAD - N, D), f32)], axis=0)

  p_l1, cnt_p = _seg_cnt(src, dst, x, wdummy, zrows, z1, ones)
  h1, inv = _tc1(p_l1, cnt_p[:, :, None], x_p, W1l, b1[None, :], W1r)
  p_l2, q_p = _seg_q(src, dst, h1, inv[:, 0], zrows, z1, ones)
  out = _tc2(p_l2, inv, h1, q_p[:, :, None],
             W2l, b2[None, :], W2r, W3l, b3[None, :], W3r)
  return out

# --- scband reference (transcript-rebuilt; emitter-appended) ---
"""Pipeline reference for scband-type-hierarchy-encoder-39874476376561 (READ-ONLY COPY).

The authoritative reference and input builder live on the scoring server;
editing this copy changes nothing except your own understanding.
"""

import jax, jax.numpy as jnp
import numpy as np

N = 10000
E = 320000
D_IN = 128
D_HID = 128
D_OUT = 128


def setup_inputs(seed: int = 0) -> dict:
    key = jax.random.key(seed)
    ks = jax.random.split(key, 12)
    x = jax.random.normal(ks[0], (N, D_IN), dtype=jnp.float32)
    edge_index = jax.random.randint(ks[1], (2, E), 0, N, dtype=jnp.int64)
    s = 0.05
    # SAGEConv layer params: W_l (neighbor agg linear, with bias), W_r (root linear, no bias)
    W1l = jax.random.normal(ks[2], (D_HID, D_IN), dtype=jnp.float32) * s
    b1 = jnp.zeros((D_HID,), dtype=jnp.float32)
    W1r = jax.random.normal(ks[3], (D_HID, D_IN), dtype=jnp.float32) * s
    W2l = jax.random.normal(ks[4], (D_HID, D_HID), dtype=jnp.float32) * s
    b2 = jnp.zeros((D_HID,), dtype=jnp.float32)
    W2r = jax.random.normal(ks[5], (D_HID, D_HID), dtype=jnp.float32) * s
    W3l = jax.random.normal(ks[6], (D_OUT, D_HID), dtype=jnp.float32) * s
    b3 = jnp.zeros((D_OUT,), dtype=jnp.float32)
    W3r = jax.random.normal(ks[7], (D_OUT, D_HID), dtype=jnp.float32) * s
    return {"x": x, "edge_index": edge_index, "W1l": W1l, "b1": b1, "W1r": W1r,
            "W2l": W2l, "b2": b2, "W2r": W2r, "W3l": W3l, "b3": b3, "W3r": W3r}


def _sage_conv(h, src, dst, Wl, bl, Wr, n):
    # message: x_j gathered from source nodes; mean-aggregate at destination
    msgs = jnp.take(h, src, axis=0)
    summed = jax.ops.segment_sum(msgs, dst, num_segments=n)
    cnt = jax.ops.segment_sum(jnp.ones((src.shape[0],), dtype=h.dtype), dst, num_segments=n)
    mean = summed / jnp.clip(cnt, 1.0)[:, None]
    return mean @ Wl.T + bl + h @ Wr.T


def reference(x, edge_index, W1l, b1, W1r, W2l, b2, W2r, W3l, b3, W3r):
    src = edge_index[0]
    dst = edge_index[1]
    n = x.shape[0]
    h = _sage_conv(x, src, dst, W1l, b1, W1r, n)
    h = jax.nn.relu(h)
    h = _sage_conv(h, src, dst, W2l, b2, W2r, n)
    h = jax.nn.relu(h)
    h = _sage_conv(h, src, dst, W3l, b3, W3r, n)
    # global_mean_pool with batch = all zeros -> mean over all nodes, shape [1, D_OUT]
    return jnp.mean(h, axis=0, keepdims=True)

if __name__ == "__main__":
    import jax
    _d = setup_inputs()
    print(jax.jit(kernel)(*tuple(_d.values())))

</pallas_src>

<mosaic_0001>
#map = affine_map<(d0, d1) -> (0, 0, 0)>
#map1 = affine_map<(d0, d1) -> (0, 0)>
#map2 = affine_map<(d0, d1) -> (0)>
module attributes {stable_mosaic.version = 14 : i64} {
  func.func @body(%arg0: i32, %arg1: i32, %arg2: memref<32x125x80xi32, #tpu.memory_space<hbm>>, %arg3: memref<32x125x80xi32, #tpu.memory_space<hbm>>, %arg4: memref<10000x128xf32, #tpu.memory_space<hbm>>, %arg5: memref<10240xf32, #tpu.memory_space<hbm>>, %arg6: memref<640x128xf32, #tpu.memory_space<hbm>>, %arg7: memref<640xf32, #tpu.memory_space<hbm>>, %arg8: memref<80xf32, #tpu.memory_space<hbm>>, %arg9: memref<2x10240x128xf32, #tpu.memory_space<hbm>>, %arg10: memref<2x10240xf32, #tpu.memory_space<hbm>>, %arg11: memref<125x80xi32, #tpu.memory_space<vmem>>, %arg12: memref<125x80xi32, #tpu.memory_space<vmem>>, %arg13: memref<80x128xf32, #tpu.memory_space<vmem>>, %arg14: memref<80xf32, #tpu.memory_space<vmem>>, %arg15: memref<10240x128xf32, #tpu.memory_space<vmem_shared>>, %arg16: memref<10240xf32, #tpu.memory_space<vmem_shared>>, %arg17: memref<!tpu.dma_semaphore, #tpu.memory_space<semaphore_mem>>, %arg18: memref<!tpu.dma_semaphore, #tpu.memory_space<semaphore_mem>>) attributes {dimension_semantics = [#tpu.dimension_semantics<core_parallel>, #tpu.dimension_semantics<subcore_parallel>], iteration_bounds = array<i64: 2, 16>, scalar_prefetch = 0 : i64, scratch_operands = 8 : i64, tpu.core_type = #tpu.core_type<sc_vector_subcore>, window_params = [{transform_indices = #map}, {transform_indices = #map}, {transform_indices = #map1}, {transform_indices = #map2}, {transform_indices = #map1}, {transform_indices = #map2}, {transform_indices = #map2}, {transform_indices = #map}, {transform_indices = #map1}]} {
    %mul3A = arith.constant 16 : i32
    %mul3A_0 = arith.muli %arg0, %mul3A : i32
    %add3A = arith.addi %mul3A_0, %arg1 : i32
    %mul3A_1 = arith.constant 640 : i32
    %mul3A_2 = arith.muli %arg1, %mul3A_1 : i32
    "tpu.region"() ({
      %run_scoped3A = tpu.sem_alloc : memref<!tpu.dma_semaphore, #tpu.memory_space<semaphore_mem>>
      %dma_start3A = arith.constant 0 : i32
      %dma_start3A_9 = tpu.memref_slice %arg15[%mul3A_2, %dma_start3A] : memref<10240x128xf32, #tpu.memory_space<vmem_shared>> -> memref<640x128xf32, #tpu.memory_space<vmem_shared>>
      tpu.enqueue_dma source(%arg6 : memref<640x128xf32, #tpu.memory_space<hbm>>) target(%dma_start3A_9 : memref<640x128xf32, #tpu.memory_space<vmem_shared>>) target_semaphore(%run_scoped3A : memref<!tpu.dma_semaphore, #tpu.memory_space<semaphore_mem>>)
      %dma_wait3A = arith.constant 0 : i32
      %dma_wait3A_10 = tpu.memref_slice %arg15[%mul3A_2, %dma_wait3A] : memref<10240x128xf32, #tpu.memory_space<vmem_shared>> -> memref<640x128xf32, #tpu.memory_space<vmem_shared>>
      tpu.wait_dma2 semaphore(%run_scoped3A : memref<!tpu.dma_semaphore, #tpu.memory_space<semaphore_mem>>) src(%arg6 : memref<640x128xf32, #tpu.memory_space<hbm>>) dst(%dma_wait3A_10 : memref<640x128xf32, #tpu.memory_space<vmem_shared>>)
      tpu.yield
    }) : () -> ()
    "tpu.region"() ({
      %run_scoped3A = tpu.sem_alloc : memref<!tpu.dma_semaphore, #tpu.memory_space<semaphore_mem>>
      %dma_start3A = tpu.memref_slice %arg16[%mul3A_2] : memref<10240xf32, #tpu.memory_space<vmem_shared>> -> memref<640xf32, #tpu.memory_space<vmem_shared>>
      tpu.enqueue_dma source(%arg7 : memref<640xf32, #tpu.memory_space<hbm>>) target(%dma_start3A : memref<640xf32, #tpu.memory_space<vmem_shared>>) target_semaphore(%run_scoped3A : memref<!tpu.dma_semaphore, #tpu.memory_space<semaphore_mem>>)
      %dma_wait3A = tpu.memref_slice %arg16[%mul3A_2] : memref<10240xf32, #tpu.memory_space<vmem_shared>> -> memref<640xf32, #tpu.memory_space<vmem_shared>>
      tpu.wait_dma2 semaphore(%run_scoped3A : memref<!tpu.dma_semaphore, #tpu.memory_space<semaphore_mem>>) src(%arg7 : memref<640xf32, #tpu.memory_space<hbm>>) dst(%dma_wait3A : memref<640xf32, #tpu.memory_space<vmem_shared>>)
      tpu.yield
    }) : () -> ()
    "tpu.region"() ({
      %run_scoped3A = tpu.sem_alloc : memref<!tpu.dma_semaphore, #tpu.memory_space<semaphore_mem>>
      %dma_start3A = arith.constant 0 : i32
      %dma_start3A_9 = arith.constant 0 : i32
      %dma_start3A_10 = tpu.memref_slice %arg2[%add3A, %dma_start3A, %dma_start3A_9] : memref<32x125x80xi32, #tpu.memory_space<hbm>> -> memref<1x125x80xi32, #tpu.memory_space<hbm>>
      %dma_start3A_11 = tpu.memref_squeeze %dma_start3A_10 : memref<1x125x80xi32, #tpu.memory_space<hbm>> -> memref<125x80xi32, #tpu.memory_space<hbm>>
      %dma_start3A_12 = arith.constant 0 : i32
      %dma_start3A_13 = arith.constant 0 : i32
      %dma_start3A_14 = tpu.memref_slice %arg2[%add3A, %dma_start3A_12, %dma_start3A_13] : memref<32x125x80xi32, #tpu.memory_space<hbm>> -> memref<1x125x80xi32, #tpu.memory_space<hbm>>
      %dma_start3A_15 = tpu.memref_squeeze %dma_start3A_14 : memref<1x125x80xi32, #tpu.memory_space<hbm>> -> memref<125x80xi32, #tpu.memory_space<hbm>>
      tpu.enqueue_dma source(%dma_start3A_15 : memref<125x80xi32, #tpu.memory_space<hbm>>) target(%arg11 : memref<125x80xi32, #tpu.memory_space<vmem>>) target_semaphore(%run_scoped3A : memref<!tpu.dma_semaphore, #tpu.memory_space<semaphore_mem>>)
      %dma_wait3A = arith.constant 0 : i32
      %dma_wait3A_16 = arith.constant 0 : i32
      %dma_wait3A_17 = tpu.memref_slice %arg2[%add3A, %dma_wait3A, %dma_wait3A_16] : memref<32x125x80xi32, #tpu.memory_space<hbm>> -> memref<1x125x80xi32, #tpu.memory_space<hbm>>
      %dma_wait3A_18 = tpu.memref_squeeze %dma_wait3A_17 : memref<1x125x80xi32, #tpu.memory_space<hbm>> -> memref<125x80xi32, #tpu.memory_space<hbm>>
      %dma_wait3A_19 = arith.constant 0 : i32
      %dma_wait3A_20 = arith.constant 0 : i32
      %dma_wait3A_21 = tpu.memref_slice %arg2[%add3A, %dma_wait3A_19, %dma_wait3A_20] : memref<32x125x80xi32, #tpu.memory_space<hbm>> -> memref<1x125x80xi32, #tpu.memory_space<hbm>>
      %dma_wait3A_22 = tpu.memref_squeeze %dma_wait3A_21 : memref<1x125x80xi32, #tpu.memory_space<hbm>> -> memref<125x80xi32, #tpu.memory_space<hbm>>
      tpu.wait_dma2 semaphore(%run_scoped3A : memref<!tpu.dma_semaphore, #tpu.memory_space<semaphore_mem>>) src(%dma_wait3A_22 : memref<125x80xi32, #tpu.memory_space<hbm>>) dst(%arg11 : memref<125x80xi32, #tpu.memory_space<vmem>>)
      tpu.yield
    }) : () -> ()
    "tpu.region"() ({
      %run_scoped3A = tpu.sem_alloc : memref<!tpu.dma_semaphore, #tpu.memory_space<semaphore_mem>>
      %dma_start3A = arith.constant 0 : i32
      %dma_start3A_9 = arith.constant 0 : i32
      %dma_start3A_10 = tpu.memref_slice %arg3[%add3A, %dma_start3A, %dma_start3A_9] : memref<32x125x80xi32, #tpu.memory_space<hbm>> -> memref<1x125x80xi32, #tpu.memory_space<hbm>>
      %dma_start3A_11 = tpu.memref_squeeze %dma_start3A_10 : memref<1x125x80xi32, #tpu.memory_space<hbm>> -> memref<125x80xi32, #tpu.memory_space<hbm>>
      %dma_start3A_12 = arith.constant 0 : i32
      %dma_start3A_13 = arith.constant 0 : i32
      %dma_start3A_14 = tpu.memref_slice %arg3[%add3A, %dma_start3A_12, %dma_start3A_13] : memref<32x125x80xi32, #tpu.memory_space<hbm>> -> memref<1x125x80xi32, #tpu.memory_space<hbm>>
      %dma_start3A_15 = tpu.memref_squeeze %dma_start3A_14 : memref<1x125x80xi32, #tpu.memory_space<hbm>> -> memref<125x80xi32, #tpu.memory_space<hbm>>
      tpu.enqueue_dma source(%dma_start3A_15 : memref<125x80xi32, #tpu.memory_space<hbm>>) target(%arg12 : memref<125x80xi32, #tpu.memory_space<vmem>>) target_semaphore(%run_scoped3A : memref<!tpu.dma_semaphore, #tpu.memory_space<semaphore_mem>>)
      %dma_wait3A = arith.constant 0 : i32
      %dma_wait3A_16 = arith.constant 0 : i32
      %dma_wait3A_17 = tpu.memref_slice %arg3[%add3A, %dma_wait3A, %dma_wait3A_16] : memref<32x125x80xi32, #tpu.memory_space<hbm>> -> memref<1x125x80xi32, #tpu.memory_space<hbm>>
      %dma_wait3A_18 = tpu.memref_squeeze %dma_wait3A_17 : memref<1x125x80xi32, #tpu.memory_space<hbm>> -> memref<125x80xi32, #tpu.memory_space<hbm>>
      %dma_wait3A_19 = arith.constant 0 : i32
      %dma_wait3A_20 = arith.constant 0 : i32
      %dma_wait3A_21 = tpu.memref_slice %arg3[%add3A, %dma_wait3A_19, %dma_wait3A_20] : memref<32x125x80xi32, #tpu.memory_space<hbm>> -> memref<1x125x80xi32, #tpu.memory_space<hbm>>
      %dma_wait3A_22 = tpu.memref_squeeze %dma_wait3A_21 : memref<1x125x80xi32, #tpu.memory_space<hbm>> -> memref<125x80xi32, #tpu.memory_space<hbm>>
      tpu.wait_dma2 semaphore(%run_scoped3A : memref<!tpu.dma_semaphore, #tpu.memory_space<semaphore_mem>>) src(%dma_wait3A_22 : memref<125x80xi32, #tpu.memory_space<hbm>>) dst(%arg12 : memref<125x80xi32, #tpu.memory_space<vmem>>)
      tpu.yield
    }) : () -> ()
    "tpu.region"() ({
      %run_scoped3A = tpu.sem_alloc : memref<!tpu.dma_semaphore, #tpu.memory_space<semaphore_mem>>
      tpu.enqueue_dma source(%arg8 : memref<80xf32, #tpu.memory_space<hbm>>) target(%arg14 : memref<80xf32, #tpu.memory_space<vmem>>) target_semaphore(%run_scoped3A : memref<!tpu.dma_semaphore, #tpu.memory_space<semaphore_mem>>)
      tpu.wait_dma2 semaphore(%run_scoped3A : memref<!tpu.dma_semaphore, #tpu.memory_space<semaphore_mem>>) src(%arg8 : memref<80xf32, #tpu.memory_space<hbm>>) dst(%arg14 : memref<80xf32, #tpu.memory_space<vmem>>)
      tpu.yield
    }) : () -> ()
    %barrier3A = arith.constant 0 : index
    tpu.barrier barrier_id(%barrier3A)
    %scan3A = arith.constant 0 : i32
    %scan3A_3 = arith.constant 0 : i32
    %scan3A_4 = arith.constant 125 : i32
    %scan3A_5 = arith.addi %scan3A_3, %scan3A_4 : i32
    %scan3A_6 = arith.constant 1 : i32
    scf.for %scan3A_9 = %scan3A_3 to %scan3A_5 step %scan3A_6  : i32 {
      %dma_start3A = arith.constant 0 : i32
      %dma_start3A_10 = tpu.memref_slice %arg11[%scan3A_9, %dma_start3A] : memref<125x80xi32, #tpu.memory_space<vmem>> -> memref<1x80xi32, #tpu.memory_space<vmem>>
      %dma_start3A_11 = tpu.memref_squeeze %dma_start3A_10 : memref<1x80xi32, #tpu.memory_space<vmem>> -> memref<80xi32, #tpu.memory_space<vmem>>
      %dma_start3A_12 = arith.constant 0 : i32
      %dma_start3A_13 = arith.constant 0 : i32
      %dma_start3A_14 = tpu.memref_slice %arg4[%dma_start3A_12, %dma_start3A_13] : memref<10000x128xf32, #tpu.memory_space<hbm>> -> memref<10000x128xf32, #tpu.memory_space<hbm>>
      tpu.enqueue_indirect_dma source(%dma_start3A_14 : memref<10000x128xf32, #tpu.memory_space<hbm>>) target(%arg13 : memref<80x128xf32, #tpu.memory_space<vmem>>) offsets(%dma_start3A_11 : memref<80xi32, #tpu.memory_space<vmem>>) semaphore(%arg17 : memref<!tpu.dma_semaphore, #tpu.memory_space<semaphore_mem>>)
      %dma_wait3A = arith.constant 0 : i32
      %dma_wait3A_15 = tpu.memref_slice %arg11[%scan3A_9, %dma_wait3A] : memref<125x80xi32, #tpu.memory_space<vmem>> -> memref<1x80xi32, #tpu.memory_space<vmem>>
      %dma_wait3A_16 = tpu.memref_squeeze %dma_wait3A_15 : memref<1x80xi32, #tpu.memory_space<vmem>> -> memref<80xi32, #tpu.memory_space<vmem>>
      %dma_wait3A_17 = arith.constant 0 : i32
      %dma_wait3A_18 = arith.constant 0 : i32
      %dma_wait3A_19 = tpu.memref_slice %arg4[%dma_wait3A_17, %dma_wait3A_18] : memref<10000x128xf32, #tpu.memory_space<hbm>> -> memref<10000x128xf32, #tpu.memory_space<hbm>>
      tpu.wait_indirect_dma semaphore(%arg17 : memref<!tpu.dma_semaphore, #tpu.memory_space<semaphore_mem>>) src(%dma_wait3A_19 : memref<10000x128xf32, #tpu.memory_space<hbm>>) dst(%arg13 : memref<80x128xf32, #tpu.memory_space<vmem>>)
      "tpu.region"() ({
        %run_scoped3A = tpu.sem_alloc : memref<!tpu.dma_semaphore, #tpu.memory_space<semaphore_mem>>
        %dma_start3A_20 = arith.constant 0 : i32
        %dma_start3A_21 = tpu.memref_slice %arg12[%scan3A_9, %dma_start3A_20] : memref<125x80xi32, #tpu.memory_space<vmem>> -> memref<1x80xi32, #tpu.memory_space<vmem>>
        %dma_start3A_22 = tpu.memref_squeeze %dma_start3A_21 : memref<1x80xi32, #tpu.memory_space<vmem>> -> memref<80xi32, #tpu.memory_space<vmem>>
        %dma_start3A_23 = arith.constant 0 : i32
        %dma_start3A_24 = arith.constant 0 : i32
        %dma_start3A_25 = tpu.memref_slice %arg15[%dma_start3A_23, %dma_start3A_24] : memref<10240x128xf32, #tpu.memory_space<vmem_shared>> -> memref<10240x128xf32, #tpu.memory_space<vmem_shared>>
        tpu.enqueue_indirect_dma source(%arg13 : memref<80x128xf32, #tpu.memory_space<vmem>>) target(%dma_start3A_25 : memref<10240x128xf32, #tpu.memory_space<vmem_shared>>) offsets(%dma_start3A_22 : memref<80xi32, #tpu.memory_space<vmem>>) semaphore(%run_scoped3A : memref<!tpu.dma_semaphore, #tpu.memory_space<semaphore_mem>>) {add = true}
        %dma_wait3A_26 = arith.constant 0 : i32
        %dma_wait3A_27 = tpu.memref_slice %arg12[%scan3A_9, %dma_wait3A_26] : memref<125x80xi32, #tpu.memory_space<vmem>> -> memref<1x80xi32, #tpu.memory_space<vmem>>
        %dma_wait3A_28 = tpu.memref_squeeze %dma_wait3A_27 : memref<1x80xi32, #tpu.memory_space<vmem>> -> memref<80xi32, #tpu.memory_space<vmem>>
        %dma_wait3A_29 = arith.constant 0 : i32
        %dma_wait3A_30 = arith.constant 0 : i32
        %dma_wait3A_31 = tpu.memref_slice %arg15[%dma_wait3A_29, %dma_wait3A_30] : memref<10240x128xf32, #tpu.memory_space<vmem_shared>> -> memref<10240x128xf32, #tpu.memory_space<vmem_shared>>
        tpu.wait_indirect_dma semaphore(%run_scoped3A : memref<!tpu.dma_semaphore, #tpu.memory_space<semaphore_mem>>) src(%arg13 : memref<80x128xf32, #tpu.memory_space<vmem>>) dst(%dma_wait3A_31 : memref<10240x128xf32, #tpu.memory_space<vmem_shared>>)
        tpu.yield
      }) : () -> ()
      "tpu.region"() ({
        %run_scoped3A = tpu.sem_alloc : memref<!tpu.dma_semaphore, #tpu.memory_space<semaphore_mem>>
        %dma_start3A_20 = arith.constant 0 : i32
        %dma_start3A_21 = tpu.memref_slice %arg12[%scan3A_9, %dma_start3A_20] : memref<125x80xi32, #tpu.memory_space<vmem>> -> memref<1x80xi32, #tpu.memory_space<vmem>>
        %dma_start3A_22 = tpu.memref_squeeze %dma_start3A_21 : memref<1x80xi32, #tpu.memory_space<vmem>> -> memref<80xi32, #tpu.memory_space<vmem>>
        %dma_start3A_23 = arith.constant 0 : i32
        %dma_start3A_24 = tpu.memref_slice %arg16[%dma_start3A_23] : memref<10240xf32, #tpu.memory_space<vmem_shared>> -> memref<10240xf32, #tpu.memory_space<vmem_shared>>
        tpu.enqueue_indirect_dma source(%arg14 : memref<80xf32, #tpu.memory_space<vmem>>) target(%dma_start3A_24 : memref<10240xf32, #tpu.memory_space<vmem_shared>>) offsets(%dma_start3A_22 : memref<80xi32, #tpu.memory_space<vmem>>) semaphore(%run_scoped3A : memref<!tpu.dma_semaphore, #tpu.memory_space<semaphore_mem>>) {add = true}
        %dma_wait3A_25 = arith.constant 0 : i32
        %dma_wait3A_26 = tpu.memref_slice %arg12[%scan3A_9, %dma_wait3A_25] : memref<125x80xi32, #tpu.memory_space<vmem>> -> memref<1x80xi32, #tpu.memory_space<vmem>>
        %dma_wait3A_27 = tpu.memref_squeeze %dma_wait3A_26 : memref<1x80xi32, #tpu.memory_space<vmem>> -> memref<80xi32, #tpu.memory_space<vmem>>
        %dma_wait3A_28 = arith.constant 0 : i32
        %dma_wait3A_29 = tpu.memref_slice %arg16[%dma_wait3A_28] : memref<10240xf32, #tpu.memory_space<vmem_shared>> -> memref<10240xf32, #tpu.memory_space<vmem_shared>>
        tpu.wait_indirect_dma semaphore(%run_scoped3A : memref<!tpu.dma_semaphore, #tpu.memory_space<semaphore_mem>>) src(%arg14 : memref<80xf32, #tpu.memory_space<vmem>>) dst(%dma_wait3A_29 : memref<10240xf32, #tpu.memory_space<vmem_shared>>)
        tpu.yield
      }) : () -> ()
    }
    %scan3A_7 = arith.constant 125 : i32
    %barrier3A_8 = arith.constant 0 : index
    tpu.barrier barrier_id(%barrier3A_8)
    "tpu.region"() ({
      %run_scoped3A = tpu.sem_alloc : memref<!tpu.dma_semaphore, #tpu.memory_space<semaphore_mem>>
      %dma_start3A = arith.constant 0 : i32
      %dma_start3A_9 = tpu.memref_slice %arg9[%arg0, %mul3A_2, %dma_start3A] : memref<2x10240x128xf32, #tpu.memory_space<hbm>> -> memref<1x640x128xf32, #tpu.memory_space<hbm>>
      %dma_start3A_10 = tpu.memref_squeeze %dma_start3A_9 : memref<1x640x128xf32, #tpu.memory_space<hbm>> -> memref<640x128xf32, #tpu.memory_space<hbm>>
      %dma_start3A_11 = arith.constant 0 : i32
      %dma_start3A_12 = tpu.memref_slice %arg15[%mul3A_2, %dma_start3A_11] : memref<10240x128xf32, #tpu.memory_space<vmem_shared>> -> memref<640x128xf32, #tpu.memory_space<vmem_shared>>
      tpu.enqueue_dma source(%dma_start3A_12 : memref<640x128xf32, #tpu.memory_space<vmem_shared>>) target(%dma_start3A_10 : memref<640x128xf32, #tpu.memory_space<hbm>>) target_semaphore(%run_scoped3A : memref<!tpu.dma_semaphore, #tpu.memory_space<semaphore_mem>>)
      %dma_wait3A = arith.constant 0 : i32
      %dma_wait3A_13 = tpu.memref_slice %arg9[%arg0, %mul3A_2, %dma_wait3A] : memref<2x10240x128xf32, #tpu.memory_space<hbm>> -> memref<1x640x128xf32, #tpu.memory_space<hbm>>
      %dma_wait3A_14 = tpu.memref_squeeze %dma_wait3A_13 : memref<1x640x128xf32, #tpu.memory_space<hbm>> -> memref<640x128xf32, #tpu.memory_space<hbm>>
      %dma_wait3A_15 = arith.constant 0 : i32
      %dma_wait3A_16 = tpu.memref_slice %arg15[%mul3A_2, %dma_wait3A_15] : memref<10240x128xf32, #tpu.memory_space<vmem_shared>> -> memref<640x128xf32, #tpu.memory_space<vmem_shared>>
      tpu.wait_dma2 semaphore(%run_scoped3A : memref<!tpu.dma_semaphore, #tpu.memory_space<semaphore_mem>>) src(%dma_wait3A_16 : memref<640x128xf32, #tpu.memory_space<vmem_shared>>) dst(%dma_wait3A_14 : memref<640x128xf32, #tpu.memory_space<hbm>>)
      tpu.yield
    }) : () -> ()
    "tpu.region"() ({
      %run_scoped3A = tpu.sem_alloc : memref<!tpu.dma_semaphore, #tpu.memory_space<semaphore_mem>>
      %dma_start3A = tpu.memref_slice %arg10[%arg0, %mul3A_2] : memref<2x10240xf32, #tpu.memory_space<hbm>> -> memref<1x640xf32, #tpu.memory_space<hbm>>
      %dma_start3A_9 = tpu.memref_squeeze %dma_start3A : memref<1x640xf32, #tpu.memory_space<hbm>> -> memref<640xf32, #tpu.memory_space<hbm>>
      %dma_start3A_10 = tpu.memref_slice %arg16[%mul3A_2] : memref<10240xf32, #tpu.memory_space<vmem_shared>> -> memref<640xf32, #tpu.memory_space<vmem_shared>>
      tpu.enqueue_dma source(%dma_start3A_10 : memref<640xf32, #tpu.memory_space<vmem_shared>>) target(%dma_start3A_9 : memref<640xf32, #tpu.memory_space<hbm>>) target_semaphore(%run_scoped3A : memref<!tpu.dma_semaphore, #tpu.memory_space<semaphore_mem>>)
      %dma_wait3A = tpu.memref_slice %arg10[%arg0, %mul3A_2] : memref<2x10240xf32, #tpu.memory_space<hbm>> -> memref<1x640xf32, #tpu.memory_space<hbm>>
      %dma_wait3A_11 = tpu.memref_squeeze %dma_wait3A : memref<1x640xf32, #tpu.memory_space<hbm>> -> memref<640xf32, #tpu.memory_space<hbm>>
      %dma_wait3A_12 = tpu.memref_slice %arg16[%mul3A_2] : memref<10240xf32, #tpu.memory_space<vmem_shared>> -> memref<640xf32, #tpu.memory_space<vmem_shared>>
      tpu.wait_dma2 semaphore(%run_scoped3A : memref<!tpu.dma_semaphore, #tpu.memory_space<semaphore_mem>>) src(%dma_wait3A_12 : memref<640xf32, #tpu.memory_space<vmem_shared>>) dst(%dma_wait3A_11 : memref<640xf32, #tpu.memory_space<hbm>>)
      tpu.yield
    }) : () -> ()
    return
  }
}

#map = affine_map<(d0, d1) -> (0, 0, 0)>
#map1 = affine_map<(d0, d1) -> (0, 0)>
#map2 = affine_map<(d0, d1) -> (0)>
module attributes {stable_mosaic.version = 14 : i64} {
  func.func @body(%arg0: i32, %arg1: i32, %arg2: memref<32x125x80xi32, #tpu.memory_space<hbm>>, %arg3: memref<32x125x80xi32, #tpu.memory_space<hbm>>, %arg4: memref<10240x128xf32, #tpu.memory_space<hbm>>, %arg5: memref<10240xf32, #tpu.memory_space<hbm>>, %arg6: memref<640x128xf32, #tpu.memory_space<hbm>>, %arg7: memref<640xf32, #tpu.memory_space<hbm>>, %arg8: memref<80xf32, #tpu.memory_space<hbm>>, %arg9: memref<2x10240x128xf32, #tpu.memory_space<hbm>>, %arg10: memref<2x10240xf32, #tpu.memory_space<hbm>>, %arg11: memref<125x80xi32, #tpu.memory_space<vmem>>, %arg12: memref<125x80xi32, #tpu.memory_space<vmem>>, %arg13: memref<80x128xf32, #tpu.memory_space<vmem>>, %arg14: memref<80xf32, #tpu.memory_space<vmem>>, %arg15: memref<10240x128xf32, #tpu.memory_space<vmem_shared>>, %arg16: memref<10240xf32, #tpu.memory_space<vmem_shared>>, %arg17: memref<!tpu.dma_semaphore, #tpu.memory_space<semaphore_mem>>, %arg18: memref<!tpu.dma_semaphore, #tpu.memory_space<semaphore_mem>>) attributes {dimension_semantics = [#tpu.dimension_semantics<core_parallel>, #tpu.dimension_semantics<subcore_parallel>], iteration_bounds = array<i64: 2, 16>, scalar_prefetch = 0 : i64, scratch_operands = 8 : i64, tpu.core_type = #tpu.core_type<sc_vector_subcore>, window_params = [{transform_indices = #map}, {transform_indices = #map}, {transform_indices = #map1}, {transform_indices = #map2}, {transform_indices = #map1}, {transform_indices = #map2}, {transform_indices = #map2}, {transform_indices = #map}, {transform_indices = #map1}]} {
    %mul3A = arith.constant 16 : i32
    %mul3A_0 = arith.muli %arg0, %mul3A : i32
    %add3A = arith.addi %mul3A_0, %arg1 : i32
    %mul3A_1 = arith.constant 640 : i32
    %mul3A_2 = arith.muli %arg1, %mul3A_1 : i32
    "tpu.region"() ({
      %run_scoped3A = tpu.sem_alloc : memref<!tpu.dma_semaphore, #tpu.memory_space<semaphore_mem>>
      %dma_start3A = arith.constant 0 : i32
      %dma_start3A_9 = tpu.memref_slice %arg15[%mul3A_2, %dma_start3A] : memref<10240x128xf32, #tpu.memory_space<vmem_shared>> -> memref<640x128xf32, #tpu.memory_space<vmem_shared>>
      tpu.enqueue_dma source(%arg6 : memref<640x128xf32, #tpu.memory_space<hbm>>) target(%dma_start3A_9 : memref<640x128xf32, #tpu.memory_space<vmem_shared>>) target_semaphore(%run_scoped3A : memref<!tpu.dma_semaphore, #tpu.memory_space<semaphore_mem>>)
      %dma_wait3A = arith.constant 0 : i32
      %dma_wait3A_10 = tpu.memref_slice %arg15[%mul3A_2, %dma_wait3A] : memref<10240x128xf32, #tpu.memory_space<vmem_shared>> -> memref<640x128xf32, #tpu.memory_space<vmem_shared>>
      tpu.wait_dma2 semaphore(%run_scoped3A : memref<!tpu.dma_semaphore, #tpu.memory_space<semaphore_mem>>) src(%arg6 : memref<640x128xf32, #tpu.memory_space<hbm>>) dst(%dma_wait3A_10 : memref<640x128xf32, #tpu.memory_space<vmem_shared>>)
      tpu.yield
    }) : () -> ()
    "tpu.region"() ({
      %run_scoped3A = tpu.sem_alloc : memref<!tpu.dma_semaphore, #tpu.memory_space<semaphore_mem>>
      %dma_start3A = tpu.memref_slice %arg16[%mul3A_2] : memref<10240xf32, #tpu.memory_space<vmem_shared>> -> memref<640xf32, #tpu.memory_space<vmem_shared>>
      tpu.enqueue_dma source(%arg7 : memref<640xf32, #tpu.memory_space<hbm>>) target(%dma_start3A : memref<640xf32, #tpu.memory_space<vmem_shared>>) target_semaphore(%run_scoped3A : memref<!tpu.dma_semaphore, #tpu.memory_space<semaphore_mem>>)
      %dma_wait3A = tpu.memref_slice %arg16[%mul3A_2] : memref<10240xf32, #tpu.memory_space<vmem_shared>> -> memref<640xf32, #tpu.memory_space<vmem_shared>>
      tpu.wait_dma2 semaphore(%run_scoped3A : memref<!tpu.dma_semaphore, #tpu.memory_space<semaphore_mem>>) src(%arg7 : memref<640xf32, #tpu.memory_space<hbm>>) dst(%dma_wait3A : memref<640xf32, #tpu.memory_space<vmem_shared>>)
      tpu.yield
    }) : () -> ()
    "tpu.region"() ({
      %run_scoped3A = tpu.sem_alloc : memref<!tpu.dma_semaphore, #tpu.memory_space<semaphore_mem>>
      %dma_start3A = arith.constant 0 : i32
      %dma_start3A_9 = arith.constant 0 : i32
      %dma_start3A_10 = tpu.memref_slice %arg2[%add3A, %dma_start3A, %dma_start3A_9] : memref<32x125x80xi32, #tpu.memory_space<hbm>> -> memref<1x125x80xi32, #tpu.memory_space<hbm>>
      %dma_start3A_11 = tpu.memref_squeeze %dma_start3A_10 : memref<1x125x80xi32, #tpu.memory_space<hbm>> -> memref<125x80xi32, #tpu.memory_space<hbm>>
      %dma_start3A_12 = arith.constant 0 : i32
      %dma_start3A_13 = arith.constant 0 : i32
      %dma_start3A_14 = tpu.memref_slice %arg2[%add3A, %dma_start3A_12, %dma_start3A_13] : memref<32x125x80xi32, #tpu.memory_space<hbm>> -> memref<1x125x80xi32, #tpu.memory_space<hbm>>
      %dma_start3A_15 = tpu.memref_squeeze %dma_start3A_14 : memref<1x125x80xi32, #tpu.memory_space<hbm>> -> memref<125x80xi32, #tpu.memory_space<hbm>>
      tpu.enqueue_dma source(%dma_start3A_15 : memref<125x80xi32, #tpu.memory_space<hbm>>) target(%arg11 : memref<125x80xi32, #tpu.memory_space<vmem>>) target_semaphore(%run_scoped3A : memref<!tpu.dma_semaphore, #tpu.memory_space<semaphore_mem>>)
      %dma_wait3A = arith.constant 0 : i32
      %dma_wait3A_16 = arith.constant 0 : i32
      %dma_wait3A_17 = tpu.memref_slice %arg2[%add3A, %dma_wait3A, %dma_wait3A_16] : memref<32x125x80xi32, #tpu.memory_space<hbm>> -> memref<1x125x80xi32, #tpu.memory_space<hbm>>
      %dma_wait3A_18 = tpu.memref_squeeze %dma_wait3A_17 : memref<1x125x80xi32, #tpu.memory_space<hbm>> -> memref<125x80xi32, #tpu.memory_space<hbm>>
      %dma_wait3A_19 = arith.constant 0 : i32
      %dma_wait3A_20 = arith.constant 0 : i32
      %dma_wait3A_21 = tpu.memref_slice %arg2[%add3A, %dma_wait3A_19, %dma_wait3A_20] : memref<32x125x80xi32, #tpu.memory_space<hbm>> -> memref<1x125x80xi32, #tpu.memory_space<hbm>>
      %dma_wait3A_22 = tpu.memref_squeeze %dma_wait3A_21 : memref<1x125x80xi32, #tpu.memory_space<hbm>> -> memref<125x80xi32, #tpu.memory_space<hbm>>
      tpu.wait_dma2 semaphore(%run_scoped3A : memref<!tpu.dma_semaphore, #tpu.memory_space<semaphore_mem>>) src(%dma_wait3A_22 : memref<125x80xi32, #tpu.memory_space<hbm>>) dst(%arg11 : memref<125x80xi32, #tpu.memory_space<vmem>>)
      tpu.yield
    }) : () -> ()
    "tpu.region"() ({
      %run_scoped3A = tpu.sem_alloc : memref<!tpu.dma_semaphore, #tpu.memory_space<semaphore_mem>>
      %dma_start3A = arith.constant 0 : i32
      %dma_start3A_9 = arith.constant 0 : i32
      %dma_start3A_10 = tpu.memref_slice %arg3[%add3A, %dma_start3A, %dma_start3A_9] : memref<32x125x80xi32, #tpu.memory_space<hbm>> -> memref<1x125x80xi32, #tpu.memory_space<hbm>>
      %dma_start3A_11 = tpu.memref_squeeze %dma_start3A_10 : memref<1x125x80xi32, #tpu.memory_space<hbm>> -> memref<125x80xi32, #tpu.memory_space<hbm>>
      %dma_start3A_12 = arith.constant 0 : i32
      %dma_start3A_13 = arith.constant 0 : i32
      %dma_start3A_14 = tpu.memref_slice %arg3[%add3A, %dma_start3A_12, %dma_start3A_13] : memref<32x125x80xi32, #tpu.memory_space<hbm>> -> memref<1x125x80xi32, #tpu.memory_space<hbm>>
      %dma_start3A_15 = tpu.memref_squeeze %dma_start3A_14 : memref<1x125x80xi32, #tpu.memory_space<hbm>> -> memref<125x80xi32, #tpu.memory_space<hbm>>
      tpu.enqueue_dma source(%dma_start3A_15 : memref<125x80xi32, #tpu.memory_space<hbm>>) target(%arg12 : memref<125x80xi32, #tpu.memory_space<vmem>>) target_semaphore(%run_scoped3A : memref<!tpu.dma_semaphore, #tpu.memory_space<semaphore_mem>>)
      %dma_wait3A = arith.constant 0 : i32
      %dma_wait3A_16 = arith.constant 0 : i32
      %dma_wait3A_17 = tpu.memref_slice %arg3[%add3A, %dma_wait3A, %dma_wait3A_16] : memref<32x125x80xi32, #tpu.memory_space<hbm>> -> memref<1x125x80xi32, #tpu.memory_space<hbm>>
      %dma_wait3A_18 = tpu.memref_squeeze %dma_wait3A_17 : memref<1x125x80xi32, #tpu.memory_space<hbm>> -> memref<125x80xi32, #tpu.memory_space<hbm>>
      %dma_wait3A_19 = arith.constant 0 : i32
      %dma_wait3A_20 = arith.constant 0 : i32
      %dma_wait3A_21 = tpu.memref_slice %arg3[%add3A, %dma_wait3A_19, %dma_wait3A_20] : memref<32x125x80xi32, #tpu.memory_space<hbm>> -> memref<1x125x80xi32, #tpu.memory_space<hbm>>
      %dma_wait3A_22 = tpu.memref_squeeze %dma_wait3A_21 : memref<1x125x80xi32, #tpu.memory_space<hbm>> -> memref<125x80xi32, #tpu.memory_space<hbm>>
      tpu.wait_dma2 semaphore(%run_scoped3A : memref<!tpu.dma_semaphore, #tpu.memory_space<semaphore_mem>>) src(%dma_wait3A_22 : memref<125x80xi32, #tpu.memory_space<hbm>>) dst(%arg12 : memref<125x80xi32, #tpu.memory_space<vmem>>)
      tpu.yield
    }) : () -> ()
    %barrier3A = arith.constant 0 : index
    tpu.barrier barrier_id(%barrier3A)
    %scan3A = arith.constant 0 : i32
    %scan3A_3 = arith.constant 0 : i32
    %scan3A_4 = arith.constant 125 : i32
    %scan3A_5 = arith.addi %scan3A_3, %scan3A_4 : i32
    %scan3A_6 = arith.constant 1 : i32
    scf.for %scan3A_9 = %scan3A_3 to %scan3A_5 step %scan3A_6  : i32 {
      %dma_start3A = arith.constant 0 : i32
      %dma_start3A_10 = tpu.memref_slice %arg11[%scan3A_9, %dma_start3A] : memref<125x80xi32, #tpu.memory_space<vmem>> -> memref<1x80xi32, #tpu.memory_space<vmem>>
      %dma_start3A_11 = tpu.memref_squeeze %dma_start3A_10 : memref<1x80xi32, #tpu.memory_space<vmem>> -> memref<80xi32, #tpu.memory_space<vmem>>
      %dma_start3A_12 = arith.constant 0 : i32
      %dma_start3A_13 = arith.constant 0 : i32
      %dma_start3A_14 = tpu.memref_slice %arg4[%dma_start3A_12, %dma_start3A_13] : memref<10240x128xf32, #tpu.memory_space<hbm>> -> memref<10240x128xf32, #tpu.memory_space<hbm>>
      tpu.enqueue_indirect_dma source(%dma_start3A_14 : memref<10240x128xf32, #tpu.memory_space<hbm>>) target(%arg13 : memref<80x128xf32, #tpu.memory_space<vmem>>) offsets(%dma_start3A_11 : memref<80xi32, #tpu.memory_space<vmem>>) semaphore(%arg17 : memref<!tpu.dma_semaphore, #tpu.memory_space<semaphore_mem>>)
      %dma_start3A_15 = arith.constant 0 : i32
      %dma_start3A_16 = tpu.memref_slice %arg12[%scan3A_9, %dma_start3A_15] : memref<125x80xi32, #tpu.memory_space<vmem>> -> memref<1x80xi32, #tpu.memory_space<vmem>>
      %dma_start3A_17 = tpu.memref_squeeze %dma_start3A_16 : memref<1x80xi32, #tpu.memory_space<vmem>> -> memref<80xi32, #tpu.memory_space<vmem>>
      %dma_start3A_18 = arith.constant 0 : i32
      %dma_start3A_19 = tpu.memref_slice %arg5[%dma_start3A_18] : memref<10240xf32, #tpu.memory_space<hbm>> -> memref<10240xf32, #tpu.memory_space<hbm>>
      tpu.enqueue_indirect_dma source(%dma_start3A_19 : memref<10240xf32, #tpu.memory_space<hbm>>) target(%arg14 : memref<80xf32, #tpu.memory_space<vmem>>) offsets(%dma_start3A_17 : memref<80xi32, #tpu.memory_space<vmem>>) semaphore(%arg18 : memref<!tpu.dma_semaphore, #tpu.memory_space<semaphore_mem>>)
      %dma_wait3A = arith.constant 0 : i32
      %dma_wait3A_20 = tpu.memref_slice %arg11[%scan3A_9, %dma_wait3A] : memref<125x80xi32, #tpu.memory_space<vmem>> -> memref<1x80xi32, #tpu.memory_space<vmem>>
      %dma_wait3A_21 = tpu.memref_squeeze %dma_wait3A_20 : memref<1x80xi32, #tpu.memory_space<vmem>> -> memref<80xi32, #tpu.memory_space<vmem>>
      %dma_wait3A_22 = arith.constant 0 : i32
      %dma_wait3A_23 = arith.constant 0 : i32
      %dma_wait3A_24 = tpu.memref_slice %arg4[%dma_wait3A_22, %dma_wait3A_23] : memref<10240x128xf32, #tpu.memory_space<hbm>> -> memref<10240x128xf32, #tpu.memory_space<hbm>>
      tpu.wait_indirect_dma semaphore(%arg17 : memref<!tpu.dma_semaphore, #tpu.memory_space<semaphore_mem>>) src(%dma_wait3A_24 : memref<10240x128xf32, #tpu.memory_space<hbm>>) dst(%arg13 : memref<80x128xf32, #tpu.memory_space<vmem>>)
      "tpu.region"() ({
        %run_scoped3A = tpu.sem_alloc : memref<!tpu.dma_semaphore, #tpu.memory_space<semaphore_mem>>
        %dma_start3A_30 = arith.constant 0 : i32
        %dma_start3A_31 = tpu.memref_slice %arg12[%scan3A_9, %dma_start3A_30] : memref<125x80xi32, #tpu.memory_space<vmem>> -> memref<1x80xi32, #tpu.memory_space<vmem>>
        %dma_start3A_32 = tpu.memref_squeeze %dma_start3A_31 : memref<1x80xi32, #tpu.memory_space<vmem>> -> memref<80xi32, #tpu.memory_space<vmem>>
        %dma_start3A_33 = arith.constant 0 : i32
        %dma_start3A_34 = arith.constant 0 : i32
        %dma_start3A_35 = tpu.memref_slice %arg15[%dma_start3A_33, %dma_start3A_34] : memref<10240x128xf32, #tpu.memory_space<vmem_shared>> -> memref<10240x128xf32, #tpu.memory_space<vmem_shared>>
        tpu.enqueue_indirect_dma source(%arg13 : memref<80x128xf32, #tpu.memory_space<vmem>>) target(%dma_start3A_35 : memref<10240x128xf32, #tpu.memory_space<vmem_shared>>) offsets(%dma_start3A_32 : memref<80xi32, #tpu.memory_space<vmem>>) semaphore(%run_scoped3A : memref<!tpu.dma_semaphore, #tpu.memory_space<semaphore_mem>>) {add = true}
        %dma_wait3A_36 = arith.constant 0 : i32
        %dma_wait3A_37 = tpu.memref_slice %arg12[%scan3A_9, %dma_wait3A_36] : memref<125x80xi32, #tpu.memory_space<vmem>> -> memref<1x80xi32, #tpu.memory_space<vmem>>
        %dma_wait3A_38 = tpu.memref_squeeze %dma_wait3A_37 : memref<1x80xi32, #tpu.memory_space<vmem>> -> memref<80xi32, #tpu.memory_space<vmem>>
        %dma_wait3A_39 = arith.constant 0 : i32
        %dma_wait3A_40 = arith.constant 0 : i32
        %dma_wait3A_41 = tpu.memref_slice %arg15[%dma_wait3A_39, %dma_wait3A_40] : memref<10240x128xf32, #tpu.memory_space<vmem_shared>> -> memref<10240x128xf32, #tpu.memory_space<vmem_shared>>
        tpu.wait_indirect_dma semaphore(%run_scoped3A : memref<!tpu.dma_semaphore, #tpu.memory_space<semaphore_mem>>) src(%arg13 : memref<80x128xf32, #tpu.memory_space<vmem>>) dst(%dma_wait3A_41 : memref<10240x128xf32, #tpu.memory_space<vmem_shared>>)
        tpu.yield
      }) : () -> ()
      %dma_wait3A_25 = arith.constant 0 : i32
      %dma_wait3A_26 = tpu.memref_slice %arg12[%scan3A_9, %dma_wait3A_25] : memref<125x80xi32, #tpu.memory_space<vmem>> -> memref<1x80xi32, #tpu.memory_space<vmem>>
      %dma_wait3A_27 = tpu.memref_squeeze %dma_wait3A_26 : memref<1x80xi32, #tpu.memory_space<vmem>> -> memref<80xi32, #tpu.memory_space<vmem>>
      %dma_wait3A_28 = arith.constant 0 : i32
      %dma_wait3A_29 = tpu.memref_slice %arg5[%dma_wait3A_28] : memref<10240xf32, #tpu.memory_space<hbm>> -> memref<10240xf32, #tpu.memory_space<hbm>>
      tpu.wait_indirect_dma semaphore(%arg18 : memref<!tpu.dma_semaphore, #tpu.memory_space<semaphore_mem>>) src(%dma_wait3A_29 : memref<10240xf32, #tpu.memory_space<hbm>>) dst(%arg14 : memref<80xf32, #tpu.memory_space<vmem>>)
      "tpu.region"() ({
        %run_scoped3A = tpu.sem_alloc : memref<!tpu.dma_semaphore, #tpu.memory_space<semaphore_mem>>
        %dma_start3A_30 = arith.constant 0 : i32
        %dma_start3A_31 = tpu.memref_slice %arg11[%scan3A_9, %dma_start3A_30] : memref<125x80xi32, #tpu.memory_space<vmem>> -> memref<1x80xi32, #tpu.memory_space<vmem>>
        %dma_start3A_32 = tpu.memref_squeeze %dma_start3A_31 : memref<1x80xi32, #tpu.memory_space<vmem>> -> memref<80xi32, #tpu.memory_space<vmem>>
        %dma_start3A_33 = arith.constant 0 : i32
        %dma_start3A_34 = tpu.memref_slice %arg16[%dma_start3A_33] : memref<10240xf32, #tpu.memory_space<vmem_shared>> -> memref<10240xf32, #tpu.memory_space<vmem_shared>>
        tpu.enqueue_indirect_dma source(%arg14 : memref<80xf32, #tpu.memory_space<vmem>>) target(%dma_start3A_34 : memref<10240xf32, #tpu.memory_space<vmem_shared>>) offsets(%dma_start3A_32 : memref<80xi32, #tpu.memory_space<vmem>>) semaphore(%run_scoped3A : memref<!tpu.dma_semaphore, #tpu.memory_space<semaphore_mem>>) {add = true}
        %dma_wait3A_35 = arith.constant 0 : i32
        %dma_wait3A_36 = tpu.memref_slice %arg11[%scan3A_9, %dma_wait3A_35] : memref<125x80xi32, #tpu.memory_space<vmem>> -> memref<1x80xi32, #tpu.memory_space<vmem>>
        %dma_wait3A_37 = tpu.memref_squeeze %dma_wait3A_36 : memref<1x80xi32, #tpu.memory_space<vmem>> -> memref<80xi32, #tpu.memory_space<vmem>>
        %dma_wait3A_38 = arith.constant 0 : i32
        %dma_wait3A_39 = tpu.memref_slice %arg16[%dma_wait3A_38] : memref<10240xf32, #tpu.memory_space<vmem_shared>> -> memref<10240xf32, #tpu.memory_space<vmem_shared>>
        tpu.wait_indirect_dma semaphore(%run_scoped3A : memref<!tpu.dma_semaphore, #tpu.memory_space<semaphore_mem>>) src(%arg14 : memref<80xf32, #tpu.memory_space<vmem>>) dst(%dma_wait3A_39 : memref<10240xf32, #tpu.memory_space<vmem_shared>>)
        tpu.yield
      }) : () -> ()
    }
    %scan3A_7 = arith.constant 125 : i32
    %barrier3A_8 = arith.constant 0 : index
    tpu.barrier barrier_id(%barrier3A_8)
    "tpu.region"() ({
      %run_scoped3A = tpu.sem_alloc : memref<!tpu.dma_semaphore, #tpu.memory_space<semaphore_mem>>
      %dma_start3A = arith.constant 0 : i32
      %dma_start3A_9 = tpu.memref_slice %arg9[%arg0, %mul3A_2, %dma_start3A] : memref<2x10240x128xf32, #tpu.memory_space<hbm>> -> memref<1x640x128xf32, #tpu.memory_space<hbm>>
      %dma_start3A_10 = tpu.memref_squeeze %dma_start3A_9 : memref<1x640x128xf32, #tpu.memory_space<hbm>> -> memref<640x128xf32, #tpu.memory_space<hbm>>
      %dma_start3A_11 = arith.constant 0 : i32
      %dma_start3A_12 = tpu.memref_slice %arg15[%mul3A_2, %dma_start3A_11] : memref<10240x128xf32, #tpu.memory_space<vmem_shared>> -> memref<640x128xf32, #tpu.memory_space<vmem_shared>>
      tpu.enqueue_dma source(%dma_start3A_12 : memref<640x128xf32, #tpu.memory_space<vmem_shared>>) target(%dma_start3A_10 : memref<640x128xf32, #tpu.memory_space<hbm>>) target_semaphore(%run_scoped3A : memref<!tpu.dma_semaphore, #tpu.memory_space<semaphore_mem>>)
      %dma_wait3A = arith.constant 0 : i32
      %dma_wait3A_13 = tpu.memref_slice %arg9[%arg0, %mul3A_2, %dma_wait3A] : memref<2x10240x128xf32, #tpu.memory_space<hbm>> -> memref<1x640x128xf32, #tpu.memory_space<hbm>>
      %dma_wait3A_14 = tpu.memref_squeeze %dma_wait3A_13 : memref<1x640x128xf32, #tpu.memory_space<hbm>> -> memref<640x128xf32, #tpu.memory_space<hbm>>
      %dma_wait3A_15 = arith.constant 0 : i32
      %dma_wait3A_16 = tpu.memref_slice %arg15[%mul3A_2, %dma_wait3A_15] : memref<10240x128xf32, #tpu.memory_space<vmem_shared>> -> memref<640x128xf32, #tpu.memory_space<vmem_shared>>
      tpu.wait_dma2 semaphore(%run_scoped3A : memref<!tpu.dma_semaphore, #tpu.memory_space<semaphore_mem>>) src(%dma_wait3A_16 : memref<640x128xf32, #tpu.memory_space<vmem_shared>>) dst(%dma_wait3A_14 : memref<640x128xf32, #tpu.memory_space<hbm>>)
      tpu.yield
    }) : () -> ()
    "tpu.region"() ({
      %run_scoped3A = tpu.sem_alloc : memref<!tpu.dma_semaphore, #tpu.memory_space<semaphore_mem>>
      %dma_start3A = tpu.memref_slice %arg10[%arg0, %mul3A_2] : memref<2x10240xf32, #tpu.memory_space<hbm>> -> memref<1x640xf32, #tpu.memory_space<hbm>>
      %dma_start3A_9 = tpu.memref_squeeze %dma_start3A : memref<1x640xf32, #tpu.memory_space<hbm>> -> memref<640xf32, #tpu.memory_space<hbm>>
      %dma_start3A_10 = tpu.memref_slice %arg16[%mul3A_2] : memref<10240xf32, #tpu.memory_space<vmem_shared>> -> memref<640xf32, #tpu.memory_space<vmem_shared>>
      tpu.enqueue_dma source(%dma_start3A_10 : memref<640xf32, #tpu.memory_space<vmem_shared>>) target(%dma_start3A_9 : memref<640xf32, #tpu.memory_space<hbm>>) target_semaphore(%run_scoped3A : memref<!tpu.dma_semaphore, #tpu.memory_space<semaphore_mem>>)
      %dma_wait3A = tpu.memref_slice %arg10[%arg0, %mul3A_2] : memref<2x10240xf32, #tpu.memory_space<hbm>> -> memref<1x640xf32, #tpu.memory_space<hbm>>
      %dma_wait3A_11 = tpu.memref_squeeze %dma_wait3A : memref<1x640xf32, #tpu.memory_space<hbm>> -> memref<640xf32, #tpu.memory_space<hbm>>
      %dma_wait3A_12 = tpu.memref_slice %arg16[%mul3A_2] : memref<10240xf32, #tpu.memory_space<vmem_shared>> -> memref<640xf32, #tpu.memory_space<vmem_shared>>
      tpu.wait_dma2 semaphore(%run_scoped3A : memref<!tpu.dma_semaphore, #tpu.memory_space<semaphore_mem>>) src(%dma_wait3A_12 : memref<640xf32, #tpu.memory_space<vmem_shared>>) dst(%dma_wait3A_11 : memref<640xf32, #tpu.memory_space<hbm>>)
      tpu.yield
    }) : () -> ()
    return
  }
}

module attributes {stable_mosaic.version = 14 : i64} {
  func.func @_tc1_body(%arg0: i32, %arg1: memref<2x2048x128xf32, #tpu.memory_space<vmem>>, %arg2: memref<2x2048x1xf32, #tpu.memory_space<vmem>>, %arg3: memref<2048x128xf32, #tpu.memory_space<vmem>>, %arg4: memref<128x128xf32, #tpu.memory_space<vmem>>, %arg5: memref<1x128xf32, #tpu.memory_space<vmem>>, %arg6: memref<128x128xf32, #tpu.memory_space<vmem>>, %arg7: memref<2048x128xf32, #tpu.memory_space<vmem>>, %arg8: memref<2048x1xf32, #tpu.memory_space<vmem>>) attributes {dimension_semantics = [#tpu.dimension_semantics<arbitrary>], iteration_bounds = array<i64: 5>, scalar_prefetch = 0 : i64, scratch_operands = 0 : i64, tpu.core_type = #tpu.core_type<tc>, window_params = [{transform_indices = @transform_0, window_bounds = array<i64: 2, 2048, 128>}, {transform_indices = @transform_1, window_bounds = array<i64: 2, 2048, 1>}, {transform_indices = @transform_2, window_bounds = array<i64: 2048, 128>}, {pipeline_mode = #tpu.pipeline_mode<synchronous>, transform_indices = @transform_3, window_bounds = array<i64: 128, 128>}, {pipeline_mode = #tpu.pipeline_mode<synchronous>, transform_indices = @transform_4, window_bounds = array<i64: 1, 128>}, {pipeline_mode = #tpu.pipeline_mode<synchronous>, transform_indices = @transform_5, window_bounds = array<i64: 128, 128>}, {transform_indices = @transform_6, window_bounds = array<i64: 2048, 128>}, {transform_indices = @transform_7, window_bounds = array<i64: 2048, 1>}]} {
    %get3A = arith.constant 0 : index
    %get3A_0 = arith.constant 0 : index
    %get3A_1 = arith.constant 0 : index
    %get3A_2 = vector.load %arg2[%get3A, %get3A_0, %get3A_1] : memref<2x2048x1xf32, #tpu.memory_space<vmem>>, vector<1x2048x1xf32>
    %get3A_3 = vector.shape_cast %get3A_2 : vector<1x2048x1xf32> to vector<2048x1xf32>
    %get3A_4 = arith.constant 1 : index
    %get3A_5 = arith.constant 0 : index
    %get3A_6 = arith.constant 0 : index
    %get3A_7 = vector.load %arg2[%get3A_4, %get3A_5, %get3A_6] : memref<2x2048x1xf32, #tpu.memory_space<vmem>>, vector<1x2048x1xf32>
    %get3A_8 = vector.shape_cast %get3A_7 : vector<1x2048x1xf32> to vector<2048x1xf32>
    %add3A = arith.addf %get3A_3, %get3A_8 : vector<2048x1xf32>
    %max3A = arith.constant 1.000000e+00 : f32
    %max3A_9 = vector.broadcast %max3A : f32 to vector<2048x1xf32>
    %max3A_10 = arith.maximumf %add3A, %max3A_9 : vector<2048x1xf32>
    %div3A = arith.constant 1.000000e+00 : f32
    %div3A_11 = vector.broadcast %div3A : f32 to vector<2048x1xf32>
    %div3A_12 = arith.divf %div3A_11, %max3A_10 : vector<2048x1xf32>
    %get3A_13 = arith.constant 0 : index
    %get3A_14 = arith.constant 0 : index
    %get3A_15 = arith.constant 0 : index
    %get3A_16 = vector.load %arg1[%get3A_13, %get3A_14, %get3A_15] : memref<2x2048x128xf32, #tpu.memory_space<vmem>>, vector<1x2048x128xf32>
    %get3A_17 = vector.shape_cast %get3A_16 : vector<1x2048x128xf32> to vector<2048x128xf32>
    %get3A_18 = arith.constant 1 : index
    %get3A_19 = arith.constant 0 : index
    %get3A_20 = arith.constant 0 : index
    %get3A_21 = vector.load %arg1[%get3A_18, %get3A_19, %get3A_20] : memref<2x2048x128xf32, #tpu.memory_space<vmem>>, vector<1x2048x128xf32>
    %get3A_22 = vector.shape_cast %get3A_21 : vector<1x2048x128xf32> to vector<2048x128xf32>
    %add3A_23 = arith.addf %get3A_17, %get3A_22 : vector<2048x128xf32>
    %mul3A = vector.broadcast %div3A_12 : vector<2048x1xf32> to vector<2048x128xf32>
    %mul3A_24 = arith.mulf %add3A_23, %mul3A : vector<2048x128xf32>
    %get3A_25 = arith.constant 0 : index
    %get3A_26 = arith.constant 0 : index
    %get3A_27 = vector.load %arg4[%get3A_25, %get3A_26] : memref<128x128xf32, #tpu.memory_space<vmem>>, vector<128x128xf32>
    %dot_general3A = arith.constant dense<0.000000e+00> : vector<2048x128xf32>
    %dot_general3A_28 = tpu.matmul %mul3A_24, %get3A_27, %dot_general3A {dimension_numbers = #tpu.dot_dimension_numbers<[1], [1], [0], [0], [0, 0, 1, 0], [], []>, transpose_lhs_hint = false} : vector<2048x128xf32>, vector<128x128xf32>, vector<2048x128xf32> -> vector<2048x128xf32>
    %get3A_29 = arith.constant 0 : index
    %get3A_30 = arith.constant 0 : index
    %get3A_31 = vector.load %arg5[%get3A_29, %get3A_30] : memref<1x128xf32, #tpu.memory_space<vmem>>, vector<1x128xf32>
    %add3A_32 = vector.broadcast %get3A_31 : vector<1x128xf32> to vector<2048x128xf32>
    %add3A_33 = arith.addf %dot_general3A_28, %add3A_32 : vector<2048x128xf32>
    %get3A_34 = arith.constant 0 : index
    %get3A_35 = arith.constant 0 : index
    %get3A_36 = vector.load %arg3[%get3A_34, %get3A_35] : memref<2048x128xf32, #tpu.memory_space<vmem>>, vector<2048x128xf32>
    %get3A_37 = arith.constant 0 : index
    %get3A_38 = arith.constant 0 : index
    %get3A_39 = vector.load %arg6[%get3A_37, %get3A_38] : memref<128x128xf32, #tpu.memory_space<vmem>>, vector<128x128xf32>
    %dot_general3A_40 = arith.constant dense<0.000000e+00> : vector<2048x128xf32>
    %dot_general3A_41 = tpu.matmul %get3A_36, %get3A_39, %dot_general3A_40 {dimension_numbers = #tpu.dot_dimension_numbers<[1], [1], [0], [0], [0, 0, 1, 0], [], []>, transpose_lhs_hint = false} : vector<2048x128xf32>, vector<128x128xf32>, vector<2048x128xf32> -> vector<2048x128xf32>
    %add3A_42 = arith.addf %add3A_33, %dot_general3A_41 : vector<2048x128xf32>
    %max3A_43 = arith.constant 0.000000e+00 : f32
    %max3A_44 = vector.broadcast %max3A_43 : f32 to vector<2048x128xf32>
    %max3A_45 = arith.maximumf %add3A_42, %max3A_44 : vector<2048x128xf32>
    %swap3A = arith.constant 0 : index
    %swap3A_46 = arith.constant 0 : index
    %swap3A_47 = vector.load %arg7[%swap3A, %swap3A_46] : memref<2048x128xf32, #tpu.memory_space<vmem>>, vector<2048x128xf32>
    tpu.vector_store %arg7[%swap3A, %swap3A_46], %max3A_45 {strides = array<i32>} : memref<2048x128xf32, #tpu.memory_space<vmem>>, vector<2048x128xf32>,
    %mul3A_48 = arith.constant 2048 : i32
    %mul3A_49 = arith.muli %arg0, %mul3A_48 : i32
    %iota3A = tpu.iota {dimensions = array<i32: 0>} : vector<2048x1xi32>
    %add3A_50 = vector.broadcast %mul3A_49 : i32 to vector<2048x1xi32>
    %add3A_51 = arith.addi %add3A_50, %iota3A : vector<2048x1xi32>
    %lt3A = arith.constant 10000 : i32
    %lt3A_52 = vector.broadcast %lt3A : i32 to vector<2048x1xi32>
    %lt3A_53 = arith.cmpi slt, %add3A_51, %lt3A_52 : vector<2048x1xi32>
    %jit3A = arith.constant 0.000000e+00 : f32
    %broadcast_in_dim3A = vector.broadcast %jit3A : f32 to vector<2048x1xf32>
    %select_n3A = arith.select %lt3A_53, %div3A_12, %broadcast_in_dim3A : vector<2048x1xi1>, vector<2048x1xf32>
    %swap3A_54 = arith.constant 0 : index
    %swap3A_55 = arith.constant 0 : index
    %swap3A_56 = vector.load %arg8[%swap3A_54, %swap3A_55] : memref<2048x1xf32, #tpu.memory_space<vmem>>, vector<2048x1xf32>
    tpu.vector_store %arg8[%swap3A_54, %swap3A_55], %select_n3A {strides = array<i32>} : memref<2048x1xf32, #tpu.memory_space<vmem>>, vector<2048x1xf32>,
    return
  }
  func.func @transform_0(%arg0: i32) -> (i32, i32, i32) {
    %c0_i32 = arith.constant 0 : i32
    %c0_i32_0 = arith.constant 0 : i32
    %c0_i32_1 = arith.constant 0 : i32
    return %c0_i32, %arg0, %c0_i32_0 : i32, i32, i32
  }
  func.func @transform_1(%arg0: i32) -> (i32, i32, i32) {
    %c0_i32 = arith.constant 0 : i32
    %c0_i32_0 = arith.constant 0 : i32
    %c0_i32_1 = arith.constant 0 : i32
    return %c0_i32, %arg0, %c0_i32_0 : i32, i32, i32
  }
  func.func @transform_2(%arg0: i32) -> (i32, i32) {
    %c0_i32 = arith.constant 0 : i32
    %c0_i32_0 = arith.constant 0 : i32
    return %arg0, %c0_i32 : i32, i32
  }
  func.func @transform_3(%arg0: i32) -> (i32, i32) {
    %c0_i32 = arith.constant 0 : i32
    %c0_i32_0 = arith.constant 0 : i32
    %c0_i32_1 = arith.constant 0 : i32
    return %c0_i32, %c0_i32_0 : i32, i32
  }
  func.func @transform_4(%arg0: i32) -> (i32, i32) {
    %c0_i32 = arith.constant 0 : i32
    %c0_i32_0 = arith.constant 0 : i32
    %c0_i32_1 = arith.constant 0 : i32
    return %c0_i32, %c0_i32_0 : i32, i32
  }
  func.func @transform_5(%arg0: i32) -> (i32, i32) {
    %c0_i32 = arith.constant 0 : i32
    %c0_i32_0 = arith.constant 0 : i32
    %c0_i32_1 = arith.constant 0 : i32
    return %c0_i32, %c0_i32_0 : i32, i32
  }
  func.func @transform_6(%arg0: i32) -> (i32, i32) {
    %c0_i32 = arith.constant 0 : i32
    %c0_i32_0 = arith.constant 0 : i32
    return %arg0, %c0_i32 : i32, i32
  }
  func.func @transform_7(%arg0: i32) -> (i32, i32) {
    %c0_i32 = arith.constant 0 : i32
    %c0_i32_0 = arith.constant 0 : i32
    return %arg0, %c0_i32 : i32, i32
  }
}

module attributes {stable_mosaic.version = 14 : i64} {
  func.func @_tc2_body(%arg0: i32, %arg1: memref<2x2048x128xf32, #tpu.memory_space<vmem>>, %arg2: memref<2048x1xf32, #tpu.memory_space<vmem>>, %arg3: memref<2048x128xf32, #tpu.memory_space<vmem>>, %arg4: memref<2x2048x1xf32, #tpu.memory_space<vmem>>, %arg5: memref<128x128xf32, #tpu.memory_space<vmem>>, %arg6: memref<1x128xf32, #tpu.memory_space<vmem>>, %arg7: memref<128x128xf32, #tpu.memory_space<vmem>>, %arg8: memref<128x128xf32, #tpu.memory_space<vmem>>, %arg9: memref<1x128xf32, #tpu.memory_space<vmem>>, %arg10: memref<128x128xf32, #tpu.memory_space<vmem>>, %arg11: memref<1x128xf32, #tpu.memory_space<vmem>>, %arg12: memref<1x128xf32, #tpu.memory_space<vmem>>, %arg13: memref<1x128xf32, #tpu.memory_space<vmem>>) attributes {dimension_semantics = [#tpu.dimension_semantics<arbitrary>], iteration_bounds = array<i64: 5>, scalar_prefetch = 0 : i64, scratch_operands = 2 : i64, tpu.core_type = #tpu.core_type<tc>, window_params = [{transform_indices = @transform_0, window_bounds = array<i64: 2, 2048, 128>}, {transform_indices = @transform_1, window_bounds = array<i64: 2048, 1>}, {transform_indices = @transform_2, window_bounds = array<i64: 2048, 128>}, {transform_indices = @transform_3, window_bounds = array<i64: 2, 2048, 1>}, {pipeline_mode = #tpu.pipeline_mode<synchronous>, transform_indices = @transform_4, window_bounds = array<i64: 128, 128>}, {pipeline_mode = #tpu.pipeline_mode<synchronous>, transform_indices = @transform_5, window_bounds = array<i64: 1, 128>}, {pipeline_mode = #tpu.pipeline_mode<synchronous>, transform_indices = @transform_6, window_bounds = array<i64: 128, 128>}, {pipeline_mode = #tpu.pipeline_mode<synchronous>, transform_indices = @transform_7, window_bounds = array<i64: 128, 128>}, {pipeline_mode = #tpu.pipeline_mode<synchronous>, transform_indices = @transform_8, window_bounds = array<i64: 1, 128>}, {pipeline_mode = #tpu.pipeline_mode<synchronous>, transform_indices = @transform_9, window_bounds = array<i64: 128, 128>}, {pipeline_mode = #tpu.pipeline_mode<synchronous>, transform_indices = @transform_10, window_bounds = array<i64: 1, 128>}]} {
    %get3A = arith.constant 0 : index
    %get3A_0 = arith.constant 0 : index
    %get3A_1 = arith.constant 0 : index
    %get3A_2 = vector.load %arg1[%get3A, %get3A_0, %get3A_1] : memref<2x2048x128xf32, #tpu.memory_space<vmem>>, vector<1x2048x128xf32>
    %get3A_3 = vector.shape_cast %get3A_2 : vector<1x2048x128xf32> to vector<2048x128xf32>
    %get3A_4 = arith.constant 1 : index
    %get3A_5 = arith.constant 0 : index
    %get3A_6 = arith.constant 0 : index
    %get3A_7 = vector.load %arg1[%get3A_4, %get3A_5, %get3A_6] : memref<2x2048x128xf32, #tpu.memory_space<vmem>>, vector<1x2048x128xf32>
    %get3A_8 = vector.shape_cast %get3A_7 : vector<1x2048x128xf32> to vector<2048x128xf32>
    %add3A = arith.addf %get3A_3, %get3A_8 : vector<2048x128xf32>
    %get3A_9 = arith.constant 0 : index
    %get3A_10 = arith.constant 0 : index
    %get3A_11 = vector.load %arg2[%get3A_9, %get3A_10] : memref<2048x1xf32, #tpu.memory_space<vmem>>, vector<2048x1xf32>
    %mul3A = vector.broadcast %get3A_11 : vector<2048x1xf32> to vector<2048x128xf32>
    %mul3A_12 = arith.mulf %add3A, %mul3A : vector<2048x128xf32>
    %get3A_13 = arith.constant 0 : index
    %get3A_14 = arith.constant 0 : index
    %get3A_15 = vector.load %arg5[%get3A_13, %get3A_14] : memref<128x128xf32, #tpu.memory_space<vmem>>, vector<128x128xf32>
    %dot_general3A = arith.constant dense<0.000000e+00> : vector<2048x128xf32>
    %dot_general3A_16 = tpu.matmul %mul3A_12, %get3A_15, %dot_general3A {dimension_numbers = #tpu.dot_dimension_numbers<[1], [1], [0], [0], [0, 0, 1, 0], [], []>, transpose_lhs_hint = false} : vector<2048x128xf32>, vector<128x128xf32>, vector<2048x128xf32> -> vector<2048x128xf32>
    %get3A_17 = arith.constant 0 : index
    %get3A_18 = arith.constant 0 : index
    %get3A_19 = vector.load %arg6[%get3A_17, %get3A_18] : memref<1x128xf32, #tpu.memory_space<vmem>>, vector<1x128xf32>
    %add3A_20 = vector.broadcast %get3A_19 : vector<1x128xf32> to vector<2048x128xf32>
    %add3A_21 = arith.addf %dot_general3A_16, %add3A_20 : vector<2048x128xf32>
    %get3A_22 = arith.constant 0 : index
    %get3A_23 = arith.constant 0 : index
    %get3A_24 = vector.load %arg3[%get3A_22, %get3A_23] : memref<2048x128xf32, #tpu.memory_space<vmem>>, vector<2048x128xf32>
    %get3A_25 = arith.constant 0 : index
    %get3A_26 = arith.constant 0 : index
    %get3A_27 = vector.load %arg7[%get3A_25, %get3A_26] : memref<128x128xf32, #tpu.memory_space<vmem>>, vector<128x128xf32>
    %dot_general3A_28 = arith.constant dense<0.000000e+00> : vector<2048x128xf32>
    %dot_general3A_29 = tpu.matmul %get3A_24, %get3A_27, %dot_general3A_28 {dimension_numbers = #tpu.dot_dimension_numbers<[1], [1], [0], [0], [0, 0, 1, 0], [], []>, transpose_lhs_hint = false} : vector<2048x128xf32>, vector<128x128xf32>, vector<2048x128xf32> -> vector<2048x128xf32>
    %add3A_30 = arith.addf %add3A_21, %dot_general3A_29 : vector<2048x128xf32>
    %max3A = arith.constant 0.000000e+00 : f32
    %max3A_31 = vector.broadcast %max3A : f32 to vector<2048x128xf32>
    %max3A_32 = arith.maximumf %add3A_30, %max3A_31 : vector<2048x128xf32>
    %mul3A_33 = arith.constant 2048 : i32
    %mul3A_34 = arith.muli %arg0, %mul3A_33 : i32
    %iota3A = tpu.iota {dimensions = array<i32: 0>} : vector<2048x1xi32>
    %add3A_35 = vector.broadcast %mul3A_34 : i32 to vector<2048x1xi32>
    %add3A_36 = arith.addi %add3A_35, %iota3A : vector<2048x1xi32>
    %lt3A = arith.constant 10000 : i32
    %lt3A_37 = vector.broadcast %lt3A : i32 to vector<2048x1xi32>
    %lt3A_38 = arith.cmpi slt, %add3A_36, %lt3A_37 : vector<2048x1xi32>
    %jit3A = arith.constant 0.000000e+00 : f32
    %broadcast_in_dim3A = vector.shape_cast %lt3A_38 : vector<2048x1xi1> to vector<2048x1xi1>
    %broadcast_in_dim3A_39 = vector.broadcast %broadcast_in_dim3A : vector<2048x1xi1> to vector<2048x128xi1>
    %broadcast_in_dim3A_40 = vector.broadcast %jit3A : f32 to vector<2048x128xf32>
    %select_n3A = arith.select %broadcast_in_dim3A_39, %max3A_32, %broadcast_in_dim3A_40 : vector<2048x128xi1>, vector<2048x128xf32>
    %get3A_41 = arith.constant 0 : index
    %get3A_42 = arith.constant 0 : index
    %get3A_43 = arith.constant 0 : index
    %get3A_44 = vector.load %arg4[%get3A_41, %get3A_42, %get3A_43] : memref<2x2048x1xf32, #tpu.memory_space<vmem>>, vector<1x2048x1xf32>
    %get3A_45 = vector.shape_cast %get3A_44 : vector<1x2048x1xf32> to vector<2048x1xf32>
    %get3A_46 = arith.constant 1 : index
    %get3A_47 = arith.constant 0 : index
    %get3A_48 = arith.constant 0 : index
    %get3A_49 = vector.load %arg4[%get3A_46, %get3A_47, %get3A_48] : memref<2x2048x1xf32, #tpu.memory_space<vmem>>, vector<1x2048x1xf32>
    %get3A_50 = vector.shape_cast %get3A_49 : vector<1x2048x1xf32> to vector<2048x1xf32>
    %add3A_51 = arith.addf %get3A_45, %get3A_50 : vector<2048x1xf32>
    %eq3A = arith.constant 0 : i32
    %eq3A_52 = arith.cmpi eq, %arg0, %eq3A : i32
    %convert_element_type3A = arith.extui %eq3A_52 : i1 to i32
    %cond3A = arith.constant 0 : i32
    %cond3A_53 = arith.cmpi ne, %convert_element_type3A, %cond3A : i32
    scf.if %cond3A_53 {
      %broadcast_in_dim3A_79 = arith.constant 0.000000e+00 : f32
      %broadcast_in_dim3A_80 = vector.broadcast %broadcast_in_dim3A_79 : f32 to vector<1x128xf32>
      %swap3A_81 = arith.constant 0 : index
      %swap3A_82 = arith.constant 0 : index
      %swap3A_83 = vector.load %arg12[%swap3A_81, %swap3A_82] : memref<1x128xf32, #tpu.memory_space<vmem>>, vector<1x128xf32>
      tpu.vector_store %arg12[%swap3A_81, %swap3A_82], %broadcast_in_dim3A_80 {strides = array<i32>} : memref<1x128xf32, #tpu.memory_space<vmem>>, vector<1x128xf32>,
      %broadcast_in_dim3A_84 = arith.constant 0.000000e+00 : f32
      %broadcast_in_dim3A_85 = vector.broadcast %broadcast_in_dim3A_84 : f32 to vector<1x128xf32>
      %swap3A_86 = arith.constant 0 : index
      %swap3A_87 = arith.constant 0 : index
      %swap3A_88 = vector.load %arg13[%swap3A_86, %swap3A_87] : memref<1x128xf32, #tpu.memory_space<vmem>>, vector<1x128xf32>
      tpu.vector_store %arg13[%swap3A_86, %swap3A_87], %broadcast_in_dim3A_85 {strides = array<i32>} : memref<1x128xf32, #tpu.memory_space<vmem>>, vector<1x128xf32>,
    } else {
    }
    %get3A_54 = arith.constant 0 : index
    %get3A_55 = arith.constant 0 : index
    %get3A_56 = vector.load %arg12[%get3A_54, %get3A_55] : memref<1x128xf32, #tpu.memory_space<vmem>>, vector<1x128xf32>
    %mul3A_57 = vector.broadcast %add3A_51 : vector<2048x1xf32> to vector<2048x128xf32>
    %mul3A_58 = arith.mulf %mul3A_57, %select_n3A : vector<2048x128xf32>
    %reduce_sum3A = arith.constant dense<0.000000e+00> : vector<128xf32>
    %reduce_sum3A_59 = vector.multi_reduction <add>, %mul3A_58, %reduce_sum3A [0] : vector<2048x128xf32> to vector<128xf32>
    %broadcast_in_dim3A_60 = vector.shape_cast %reduce_sum3A_59 : vector<128xf32> to vector<1x128xf32>
    %add3A_61 = arith.addf %get3A_56, %broadcast_in_dim3A_60 : vector<1x128xf32>
    %swap3A = arith.constant 0 : index
    %swap3A_62 = arith.constant 0 : index
    %swap3A_63 = vector.load %arg12[%swap3A, %swap3A_62] : memref<1x128xf32, #tpu.memory_space<vmem>>, vector<1x128xf32>
    tpu.vector_store %arg12[%swap3A, %swap3A_62], %add3A_61 {strides = array<i32>} : memref<1x128xf32, #tpu.memory_space<vmem>>, vector<1x128xf32>,
    %get3A_64 = arith.constant 0 : index
    %get3A_65 = arith.constant 0 : index
    %get3A_66 = vector.load %arg13[%get3A_64, %get3A_65] : memref<1x128xf32, #tpu.memory_space<vmem>>, vector<1x128xf32>
    %reduce_sum3A_67 = arith.constant dense<0.000000e+00> : vector<128xf32>
    %reduce_sum3A_68 = vector.multi_reduction <add>, %select_n3A, %reduce_sum3A_67 [0] : vector<2048x128xf32> to vector<128xf32>
    %broadcast_in_dim3A_69 = vector.shape_cast %reduce_sum3A_68 : vector<128xf32> to vector<1x128xf32>
    %add3A_70 = arith.addf %get3A_66, %broadcast_in_dim3A_69 : vector<1x128xf32>
    %swap3A_71 = arith.constant 0 : index
    %swap3A_72 = arith.constant 0 : index
    %swap3A_73 = vector.load %arg13[%swap3A_71, %swap3A_72] : memref<1x128xf32, #tpu.memory_space<vmem>>, vector<1x128xf32>
    tpu.vector_store %arg13[%swap3A_71, %swap3A_72], %add3A_70 {strides = array<i32>} : memref<1x128xf32, #tpu.memory_space<vmem>>, vector<1x128xf32>,
    %eq3A_74 = arith.constant 4 : i32
    %eq3A_75 = arith.cmpi eq, %arg0, %eq3A_74 : i32
    %convert_element_type3A_76 = arith.extui %eq3A_75 : i1 to i32
    %cond3A_77 = arith.constant 0 : i32
    %cond3A_78 = arith.cmpi ne, %convert_element_type3A_76, %cond3A_77 : i32
    scf.if %cond3A_78 {
      %get3A_79 = arith.constant 0 : index
      %get3A_80 = arith.constant 0 : index
      %get3A_81 = vector.load %arg12[%get3A_79, %get3A_80] : memref<1x128xf32, #tpu.memory_space<vmem>>, vector<1x128xf32>
      %get3A_82 = arith.constant 0 : index
      %get3A_83 = arith.constant 0 : index
      %get3A_84 = vector.load %arg8[%get3A_82, %get3A_83] : memref<128x128xf32, #tpu.memory_space<vmem>>, vector<128x128xf32>
      %dot_general3A_85 = arith.constant dense<0.000000e+00> : vector<1x128xf32>
      %dot_general3A_86 = tpu.matmul %get3A_81, %get3A_84, %dot_general3A_85 {dimension_numbers = #tpu.dot_dimension_numbers<[1], [1], [0], [0], [0, 0, 1, 0], [], []>, transpose_lhs_hint = false} : vector<1x128xf32>, vector<128x128xf32>, vector<1x128xf32> -> vector<1x128xf32>
      %get3A_87 = arith.constant 0 : index
      %get3A_88 = arith.constant 0 : index
      %get3A_89 = vector.load %arg13[%get3A_87, %get3A_88] : memref<1x128xf32, #tpu.memory_space<vmem>>, vector<1x128xf32>
      %get3A_90 = arith.constant 0 : index
      %get3A_91 = arith.constant 0 : index
      %get3A_92 = vector.load %arg10[%get3A_90, %get3A_91] : memref<128x128xf32, #tpu.memory_space<vmem>>, vector<128x128xf32>
      %dot_general3A_93 = arith.constant dense<0.000000e+00> : vector<1x128xf32>
      %dot_general3A_94 = tpu.matmul %get3A_89, %get3A_92, %dot_general3A_93 {dimension_numbers = #tpu.dot_dimension_numbers<[1], [1], [0], [0], [0, 0, 1, 0], [], []>, transpose_lhs_hint = false} : vector<1x128xf32>, vector<128x128xf32>, vector<1x128xf32> -> vector<1x128xf32>
      %add3A_95 = arith.addf %dot_general3A_86, %dot_general3A_94 : vector<1x128xf32>
      %mul3A_96 = arith.constant 9.99999974E-5 : f32
      %mul3A_97 = vector.broadcast %mul3A_96 : f32 to vector<1x128xf32>
      %mul3A_98 = arith.mulf %add3A_95, %mul3A_97 : vector<1x128xf32>
      %get3A_99 = arith.constant 0 : index
      %get3A_100 = arith.constant 0 : index
      %get3A_101 = vector.load %arg9[%get3A_99, %get3A_100] : memref<1x128xf32, #tpu.memory_space<vmem>>, vector<1x128xf32>
      %add3A_102 = arith.addf %mul3A_98, %get3A_101 : vector<1x128xf32>
      %swap3A_103 = arith.constant 0 : index
      %swap3A_104 = arith.constant 0 : index
      %swap3A_105 = vector.load %arg11[%swap3A_103, %swap3A_104] : memref<1x128xf32, #tpu.memory_space<vmem>>, vector<1x128xf32>
      tpu.vector_store %arg11[%swap3A_103, %swap3A_104], %add3A_102 {strides = array<i32>} : memref<1x128xf32, #tpu.memory_space<vmem>>, vector<1x128xf32>,
    } else {
    }
    return
  }
  func.func @transform_0(%arg0: i32) -> (i32, i32, i32) {
    %c0_i32 = arith.constant 0 : i32
    %c0_i32_0 = arith.constant 0 : i32
    %c0_i32_1 = arith.constant 0 : i32
    return %c0_i32, %arg0, %c0_i32_0 : i32, i32, i32
  }
  func.func @transform_1(%arg0: i32) -> (i32, i32) {
    %c0_i32 = arith.constant 0 : i32
    %c0_i32_0 = arith.constant 0 : i32
    return %arg0, %c0_i32 : i32, i32
  }
  func.func @transform_2(%arg0: i32) -> (i32, i32) {
    %c0_i32 = arith.constant 0 : i32
    %c0_i32_0 = arith.constant 0 : i32
    return %arg0, %c0_i32 : i32, i32
  }
  func.func @transform_3(%arg0: i32) -> (i32, i32, i32) {
    %c0_i32 = arith.constant 0 : i32
    %c0_i32_0 = arith.constant 0 : i32
    %c0_i32_1 = arith.constant 0 : i32
    return %c0_i32, %arg0, %c0_i32_0 : i32, i32, i32
  }
  func.func @transform_4(%arg0: i32) -> (i32, i32) {
    %c0_i32 = arith.constant 0 : i32
    %c0_i32_0 = arith.constant 0 : i32
    %c0_i32_1 = arith.constant 0 : i32
    return %c0_i32, %c0_i32_0 : i32, i32
  }
  func.func @transform_5(%arg0: i32) -> (i32, i32) {
    %c0_i32 = arith.constant 0 : i32
    %c0_i32_0 = arith.constant 0 : i32
    %c0_i32_1 = arith.constant 0 : i32
    return %c0_i32, %c0_i32_0 : i32, i32
  }
  func.func @transform_6(%arg0: i32) -> (i32, i32) {
    %c0_i32 = arith.constant 0 : i32
    %c0_i32_0 = arith.constant 0 : i32
    %c0_i32_1 = arith.constant 0 : i32
    return %c0_i32, %c0_i32_0 : i32, i32
  }
  func.func @transform_7(%arg0: i32) -> (i32, i32) {
    %c0_i32 = arith.constant 0 : i32
    %c0_i32_0 = arith.constant 0 : i32
    %c0_i32_1 = arith.constant 0 : i32
    return %c0_i32, %c0_i32_0 : i32, i32
  }
  func.func @transform_8(%arg0: i32) -> (i32, i32) {
    %c0_i32 = arith.constant 0 : i32
    %c0_i32_0 = arith.constant 0 : i32
    %c0_i32_1 = arith.constant 0 : i32
    return %c0_i32, %c0_i32_0 : i32, i32
  }
  func.func @transform_9(%arg0: i32) -> (i32, i32) {
    %c0_i32 = arith.constant 0 : i32
    %c0_i32_0 = arith.constant 0 : i32
    %c0_i32_1 = arith.constant 0 : i32
    return %c0_i32, %c0_i32_0 : i32, i32
  }
  func.func @transform_10(%arg0: i32) -> (i32, i32) {
    %c0_i32 = arith.constant 0 : i32
    %c0_i32_0 = arith.constant 0 : i32
    %c0_i32_1 = arith.constant 0 : i32
    return %c0_i32, %c0_i32_0 : i32, i32
  }
}

</mosaic_0001>

<sc_bundles>
// kernel: kernel.6.cloned.1.call-start
scs
__scs_entry_jumppad:
0x0: {  	(pc) =	sbr.rel $0x88, $3  }
0x1: {  	(tag) =	ssettag $0x0;
	lr =	simm.s32 $0x1  }
0x2: {  	[smem:$0x3F96] =	sst lr;
	_ =	strace $0xD0000000  }
0x3: {  	_ = 	snop  }
0x4: {  	_ = 	snop  }
0x5: {  	_ = 	snop  }
0x6: {  	_ = 	snop  }
0x7: {  	_ = 	snop  }
__scs_overlays_trampoline_lowered:
0x8: {  	[smem:$0x3FA5] =	sst s0  }
0x9: {  	[smem:$0x3FA6] =	sst s1  }
0xa: {  	[smem:$0x3FA7] =	sst s2  }
0xb: {  	[smem:$0x3FA8] =	sst s3  }
0xc: {  	[smem:$0x3FA9] =	sst s4  }
0xd: {  	[smem:$0x3FAA] =	sst s5  }
0xe: {  	[smem:$0x3FAB] =	sst s6  }
0xf: {  	[smem:$0x3FAC] =	sst s7  }
0x10: {  	[smem:$0x3FAD] =	sst s8  }
0x11: {  	[smem:$0x3FAE] =	sst s9;
	s0 =	simm.s32 @!p0 $0x0  }
0x12: {  	s1 =	sld [smem:$0x3F94];
	s0 =	simm.s32 @p0 $0x1  }
0x13: {  	[smem:$0x3FAF] =	sst s0;
	s0 =	simm.s32 @!p1 $0x0  }
0x14: {  	s2 =	sld [smem:$0x3F93];
	s0 =	simm.s32 @p1 $0x1  }
0x15: {  	[smem:$0x3FB0] =	sst s0;
	s0 =	simm.s32 @!p2 $0x0  }
0x16: {  	s3 =	sld [smem:$0x3FDB];
	s0 =	simm.s32 @p2 $0x1  }
0x17: {  	s4 =	simm.s32 $0x1BF5;
	[smem:$0x3FB2] =	sst s0  }
0x18: {  	s0 =	sld [smem:$0x3F95];
	_ =	swait.ge [sflag:s4], $0x0  }
0x19: {  	s7 =	sld [smem:$0x3F96]  }
0x1a: {  	s8 =	sadd.s32 $0xFFFFE003, lr  }
0x1b: {  	s9 =	sadd.s32 $0xFFFFFEF7, lr;
	s5 =	simm.s32 $0xFFFFFFFF;
	p2 =	slt.u32 s8, $0xFFFFF086  }
0x1c: {  	p1 =	slt.u32 s9, $0xF7A;
	s5 =	simm.s32 @!p2 $0x0  }
0x1d: {  	s5 =	simm.s32 @p1 $0x1;
	p0 =	seq.s32 s7, s2  }
0x1e: {  	s7 =	smul.u32 @!p0 $0xF7A, s2;
	p2 =	seq.s32 @!p0 s5, $0x0  }
0x1f: {  	s9 =	smul.u32 $0xF7A, s1;
	s8 =	simm.s32 @!p0 $0x1BF5;
	p2 =	por !p2, p0  }
0x20: {  	[sflag:s8] =	ssyncset.s32 @!p0 $0xFFFFF086;
	s6 =	sadd.s32 @!p0 s3, s7;
	s7 =	simm.s32 @!p0 $0x108  }
0x21: {  	s3 =	sadd.s32 s3, s9;
	s6 =	sadd.s32 @!p0 $0x88, s6;
	s7 =	simm.s32 @p2 $0x1082  }
0x22: {  	[simem:s7], [sflag:s8] =	dma.local @!p0 [hbm:s6], $0xF7A  }
0x23: {  	s9 =	sor.u32 $0xD0000000, s2;
	s6 =	simm.s32 $0x108;
	_ =	swait.ge @!p0 [sflag:s8], $0x0  }
0x24: {  	s3 =	sadd.s32 $0x88, s3;
	s6 =	simm.s32 @!p1 $0x1082;
	[sflag:s4] =	ssyncset.s32 $0xFFFFF086  }
0x25: {  	[simem:s6], [sflag:s4] =	dma.local [hbm:s3], $0xF7A  }
0x26: {  	[smem:$0x3F96] =	sst s1;
	(tag) =	ssettag s2;
	_ =	strace s9  }
0x27: {  	s1 =	sld [smem:$0x3FA6]  }
0x28: {  	s2 =	sld [smem:$0x3FA7]  }
0x29: {  	s4 =	sld [smem:$0x3FA9]  }
0x2a: {  	p0 =	seq.s32 s5, $0x0;
	s5 =	sld [smem:$0x3FAA]  }
0x2b: {  	s6 =	sld [smem:$0x3FAB]  }
0x2c: {  	s7 =	sld [smem:$0x3FAC]  }
0x2d: {  	s3 =	simm.s32 $0x108;
	s8 =	sld [smem:$0x3FAD]  }
0x2e: {  	s3 =	simm.s32 @!p0 $0x1082;
	s9 =	sld [smem:$0x3FAE]  }
0x2f: {  	lr =	sadd.s32 s0, s3;
	s0 =	sld [smem:$0x3FA5]  }
0x30: {  	s3 =	sld [smem:$0x3FA8]  }
0x31: {  	[smem:$0x3FB1] =	sst s10  }
0x32: {  	s10 =	sld [smem:$0x3FAF];
	_ =	sdelay $0x3  }
0x33: {  	p0 =	seq.s32 s10, $0x1;
	s10 =	sld [smem:$0x3FB1];
	_ =	sdelay $0x3  }
0x34: {  	[smem:$0x3FB1] =	sst s10  }
0x35: {  	s10 =	sld [smem:$0x3FB0];
	_ =	sdelay $0x3  }
0x36: {  	p1 =	seq.s32 s10, $0x1;
	s10 =	sld [smem:$0x3FB1];
	_ =	sdelay $0x3  }
0x37: {  	[smem:$0x3FB1] =	sst s10  }
0x38: {  	s10 =	sld [smem:$0x3FB2]  }
0x39: {  	_ = 	snop;
	(pc) =	sbr.ind lr, $3  }
0x3a: {  	_ = 	snop  }
0x3b: {  	_ = 	snop  }
0x3c: {  	p2 =	seq.s32 s10, $0x1;
	s10 =	sld [smem:$0x3FB1]  }
0x3d: {  	_ =	shalt  }
0x3e: {  	_ =	shalt  }
0x3f: {  	_ =	shalt  }
0x40: {  	_ =	shalt  }
0x41: {  	_ =	shalt  }
0x42: {  	_ =	shalt  }
0x43: {  	_ =	shalt  }
0x44: {  	_ =	shalt  }
0x45: {  	_ =	shalt  }
0x46: {  	_ =	shalt  }
0x47: {  	_ =	shalt  }
0x48: {  	_ =	shalt  }
0x49: {  	_ =	shalt  }
0x4a: {  	_ =	shalt  }
0x4b: {  	_ =	shalt  }
0x4c: {  	_ =	shalt  }
0x4d: {  	_ =	shalt  }
0x4e: {  	_ =	shalt  }
0x4f: {  	_ =	shalt  }
0x50: {  	_ =	shalt  }
0x51: {  	_ =	shalt  }
0x52: {  	_ =	shalt  }
0x53: {  	_ =	shalt  }
0x54: {  	_ =	shalt  }
0x55: {  	_ =	shalt  }
0x56: {  	_ =	shalt  }
0x57: {  	_ =	shalt  }
0x58: {  	_ =	shalt  }
0x59: {  	_ =	shalt  }
0x5a: {  	_ =	shalt  }
0x5b: {  	_ =	shalt  }
0x5c: {  	_ =	shalt  }
0x5d: {  	_ =	shalt  }
0x5e: {  	_ =	shalt  }
0x5f: {  	_ =	shalt  }
0x60: {  	_ =	shalt  }
0x61: {  	_ =	shalt  }
0x62: {  	_ =	shalt  }
0x63: {  	_ =	shalt  }
0x64: {  	_ =	shalt  }
0x65: {  	_ =	shalt  }
0x66: {  	_ =	shalt  }
0x67: {  	_ =	shalt  }
0x68: {  	_ =	shalt  }
0x69: {  	_ =	shalt  }
0x6a: {  	_ =	shalt  }
0x6b: {  	_ =	shalt  }
0x6c: {  	_ =	shalt  }
0x6d: {  	_ =	shalt  }
0x6e: {  	_ =	shalt  }
0x6f: {  	_ =	shalt  }
0x70: {  	_ =	shalt  }
0x71: {  	_ =	shalt  }
0x72: {  	_ =	shalt  }
0x73: {  	_ =	shalt  }
0x74: {  	_ =	shalt  }
0x75: {  	_ =	shalt  }
0x76: {  	_ =	shalt  }
0x77: {  	_ =	shalt  }
0x78: {  	_ =	shalt  }
0x79: {  	_ =	shalt  }
0x7a: {  	_ =	shalt  }
0x7b: {  	_ =	shalt  }
0x7c: {  	_ =	shalt  }
0x7d: {  	_ =	shalt  }
0x7e: {  	_ =	shalt  }
0x7f: {  	_ =	shalt  }
0x80: {  	_ =	shalt  }
0x81: {  	_ =	shalt  }
0x82: {  	_ =	shalt  }
0x83: {  	_ =	shalt  }
0x84: {  	_ =	shalt  }
0x85: {  	_ =	shalt  }
0x86: {  	_ =	shalt  }
0x87: {  	_ =	shalt  }
.Lfunc_end0:
.L_simem_size_0:
called_computation_lowered:
.L_overlay_start_0:
0x88: {  	s2 =	sld [smem:$0x3FD9]  }
0x89: {  	s3 =	sld [smem:$0x3FFE];
	_ =	sdelay $0x1  }
0x8a: {  	s1 =	srdreg.scid  }
0x8b: {  	s0 =	sand.u32 $0x1, s1  }
0x8c: {  	s17 =	sshll.u32 s0, $0xA;
	s2 =	sadd.s32 s3, s2  }
0x8d: {  	s2 =	sadd.s32 s2, s17  }
0x8e: {  	[smem:$0x3FBD] =	sst s2  }
0x8f: {  	_ = 	snop  }
0x90: {  	s2 =	sld [smem:$0x3FC9]  }
0x91: {  	s18 =	sld [smem:$0x3FD0];
	(tm) =	ssettm $0x1  }
0x92: {  	s4 =	sld [smem:$0x3FFB];
	_ =	sdelay $0x3  }
0x93: {  	_ =	strace s4  }
0x94: {  	s4 =	sld [smem:$0x3FFC];
	_ =	sdelay $0x3  }
0x95: {  	_ =	strace s4  }
0x96: {  	s4 =	sld [smem:$0x3FFD];
	_ =	sdelay $0x3  }
0x97: {  	_ =	strace s4  }
0x98: {  	_ =	strace $0x8FFFFFFF  }
0x99: {  	s19 =	sld [smem:$0x3FDB];
	_ =	sdelay $0x1  }
0x9a: {  	s5 =	simm.s32 $_scs_section_size  }
0x9b: {  	s6 =	simm.s32 $_size__tile_overlayer_lowered;
	s7 =	simm.s32 $_tile_overlayer_lowered  }
0x9c: {  	s22 =	simm.s32 $0x1BFF;
	s21 =	sshll.u32 s7, $0x1;
	s4 =	sadd.s32 s5, s19  }
0x9d: {  	s8 =	simm.s32 $0x0;
	s20 =	sshll.u32 s6, $0x1;
	s6 =	sadd.s32 s21, s4  }
0x9e: {  	[timem:s8], [sflag:s22] =	dma.local [hbm:s6], s20  }
0x9f: {  	_ =	swait.ge [sflag:s22], s20  }
0xa0: {  	s5 =	ssub.s32 $0x0, s20;
	[sflag:s22] =	ssyncset.done $0x0  }
0xa1: {  	[sflag:s22] =	ssyncadd.s32 s5;
	_ =	sdelay $0x1  }
0xa2: {  	s23 =	simm.s32 $0x1B8B  }
0xa3: {  	_ =	swait.ge [sflag:s23], $0x1  }
0xa4: {  	[sflag:s23] =	ssyncset.done $0x0  }
0xa5: {  	s25 =	simm.s32 $0x1B8E;
	s24 =	sld [smem:$0x3FFE];
	[sflag:s23] =	ssyncadd.s32 $0xFFFFFFFF  }
0xa6: {  	s26 =	simm.s32 $execute0_lowered;
	[smem:$0x3FD2] =	sst s25  }
0xa7: {  	s6 =	sshll.u32 s26, $0x1;
	_ =	strace $0x80000046;
	[dreg:$0x1] =	wrdreg $0xFFFFFFFF  }
0xa8: {  	s28 =	simm.s32 $_size_execute0_lowered;
	s4 =	sadd.s32 s4, s6;
	[dreg:$0x0] =	wrdreg $0x0  }
0xa9: {  	s6 =	sshll.u32 s28, $0x1;
	[dreg:$0x2] =	wrdreg s4  }
0xaa: {  	[dreg:$0x3] =	wrdreg s6  }
0xab: {  	[dreg:$0x4] =	wrdreg $0xC0  }
0xac: {  	_ =	task [dreg:s8], $0x5FFFF  }
0xad: {  	[dreg:$0x1] =	wrdreg $0xFFFFFFFF  }
0xae: {  	[dreg:$0x0] =	wrdreg $0x60  }
0xaf: {  	[dreg:$0x2] =	wrdreg s24  }
0xb0: {  	[dreg:$0x3] =	wrdreg s2  }
0xb1: {  	[dreg:$0x4] =	wrdreg s18  }
0xb2: {  	[dreg:$0x5] =	wrdreg $0xA8800  }
0xb3: {  	[dreg:$0x6] =	wrdreg $0x1E8800  }
0xb4: {  	[dreg:$0x7] =	wrdreg $0x9  }
0xb5: {  	_ =	task.clear_ibuf [dreg:s8], $0x8FFFF;
	_ =	strace $0x90000046  }
0xb6: {  	s29 =	simm.s32 $0x9;
	_ =	strace $0x80000048  }
0xb7: {  	_ =	swait.ge [sflag:s29], $0x1  }
0xb8: {  	[sflag:s29] =	ssyncadd.s32 $0xFFFFFFFF  }
0xb9: {  	_ =	strace $0x90000048  }
0xba: {  	_ =	sfence  }
0xbb: {  	s30 =	sld [smem:$0x0];
	_ =	sdelay $0x2  }
0xbc: {  	s31 =	sshll.u32 s1, $0xD;
	s1 =	sshrl.u32 s1, $0x2  }
0xbd: {  	s3 =	sand.u32 $0x4000, s31;
	s1 =	sadd.s32 s1, s30  }
0xbe: {  	s0 =	sor.u32 s3, s0;
	s1 =	sshll.u32 s1, $0x11  }
0xbf: {  	s0 =	sor.u32 s1, s0  }
0xc0: {  	s0 =	sadd.s32 $0x8F2B, s0  }
0xc1: {  	[sflag:s0] =	ssyncadd.remote.s32 $0x1  }
0xc2: {  	_ =	sfence.sel $0xFFFF  }
0xc3: {  	[dreg:$0x0] =	wrdreg $0xFFFFFFFF;
	(pc) =	sbr.abs _section_cstart, $3  }
0xc4: {  	[dreg:$0x1] =	wrdreg $0xFFFFFFFF  }
0xc5: {  	_ =	task.clear_ibuf [dreg:s8], $0x2FFFF;
	_ =	strace $0x9FFFFFFF  }
0xc6: {  	(tm) =	ssettm $0x7FFFFFFF  }
0xc7: {  	_ =	shalt  }
tec
execute0_lowered:
.L_overlay_start_1:
0x0: {  	(tag) =	ssettag $0x1  }
0x1: {  	s9 =	rddreg [dreg:$0x0]  }
0x2: {  	s1 =	rddreg [dreg:$0x1]  }
0x3: {  	s2 =	rddreg [dreg:$0x2]  }
0x4: {  	s3 =	rddreg [dreg:$0x3]  }
0x5: {  	s4 =	rddreg [dreg:$0x4]  }
0x6: {  	s5 =	srdreg.scid;
	s0 =	rddreg [dreg:$0x5]  }
0x7: {  	s6 =	simm.s32 $0x0;
	s19 =	simm.s32 $0xA800;
	s20 =	simm.s32 $0x50  }
0x8: {  	s21 =	simm.s32 $0x8000;
	s22 =	simm.s32 $0x1;
	s10 =	sand.u32 $0x1, s5  }
0x9: {  	s23 =	simm.s32 $0x20;
	s5 =	stileid.u32;
	s7 =	smul.u32 $0x140000, s10  }
0xa: {  	s24 =	simm.s32 $0x10;
	s25 =	simm.s32 $0x0;
	s12 =	smul.u32 $0x14000, s5  }
0xb: {  	[smem:$0x7FF] =	sst s6;
	s8 =	sshll.u32 s10, $0xF;
	s13 =	smul.u32 $0x500, s5  }
0xc: {  	s11 =	sshll.u32 s5, $0xB;
	_ =	strace $0x80000047;
	s28 =	smul.u32 $0x50000, s5  }
0xd: {  	s14 =	sshll.u32 s10, $0x7;
	s10 =	ssub.s32 $0x2, s10;
	s16 =	smul.u32 $0xA00, s5  }
0xe: {  	s30 =	sshll.u32 s5, $0x6;
	s8 =	sor.u32 s11, s8;
	s15 =	sshrl.u32 s10, $0x1  }
0xf: {  	s11 =	sadd.s32 s8, s9;
	s26 =	sadd.s32 s12, s7;
	s7 =	sadd.s32 $0x23200, s9  }
0x10: {  	s8 =	sadd.s32 $0x22A00, s9;
	s13 =	sor.u32 s14, s13;
	s15 =	ssub.s32 s10, s15  }
0x11: {  	s29 =	sshrl.u32 s28, $0x2;
	s31 =	sshrl.u32 s16, $0x2;
	s16 =	simm.s32 $0x2  }
0x12: {  	s12 =	sshrl.u32 s26, $0x3;
	s13 =	sshrl.u32 s13, $0x3;
	s17 =	sadd.s32 s29, s3  }
0x13: {  	s18 =	sadd.s32 s31, s4;
	s10 =	sadd.s32 $0x12A00, s11;
	s11 =	sadd.s32 $0x2A00, s11  }
0x14: {  	s14 =	smax.u32 s15, $0x1;
	s12 =	sadd.s32 s12, s9;
	s13 =	sadd.s32 s13, s9  }
0x15: {  	s9 =	sor.u32 $0x1C02, s30;
	s15 =	sshrl.u32 s17, $0x3;
	s17 =	sshrl.u32 s18, $0x3  }
0x16: {  	s18 =	simm.s32 $0x4000;
	s12 =	sadd.s32 $0x26400, s12;
	s13 =	sadd.s32 $0x25A00, s13  }
.LBB2_1:
0x17: {  	[spmem:s15], [sflag:s9] =	dma.local [hbm:s7], $0x2800  }
0x18: {  	_ =	swait.ge [sflag:s16], $0x2800  }
0x19: {  	[sflag:s16] =	ssyncset.done $0x0  }
0x1a: {  	[sflag:s16] =	ssyncadd.s32 $0xFFFFD800  }
0x1b: {  	[spmem:s17], [sflag:s9] =	dma.local [hbm:s8], $0x50  }
0x1c: {  	_ =	swait.ge [sflag:s16], $0x50  }
0x1d: {  	[sflag:s16] =	ssyncset.done $0x0  }
0x1e: {  	[sflag:s16] =	ssyncadd.s32 $0xFFFFFFB0  }
0x1f: {  	[tilespmem:s6], [sflag:$0x2] =	stream.linear.gather [hbm4b:s10+s6], $0x3E80, $0x38;
	[tilespmem:$0x1EB00] =	vst v63  }
0x20: {  	_ =	swait.ge [sflag:s16], $0x3E80  }
0x21: {  	[sflag:s16] =	ssyncset.done $0x0  }
0x22: {  	[sflag:s16] =	ssyncadd.s32 $0xFFFFC180  }
0x23: {  	[tilespmem:s18], [sflag:$0x2] =	stream.linear.gather [hbm4b:s11+s6], $0x3E80, $0x38;
	[tilespmem:$0x1EB00] =	vst v63  }
0x24: {  	_ =	swait.ge [sflag:s16], $0x3E80  }
0x25: {  	[sflag:s16] =	ssyncset.done $0x0  }
0x26: {  	[sflag:s16] =	ssyncadd.s32 $0xFFFFC180  }
0x27: {  	[tilespmem:s19], [sflag:$0x2] =	stream.linear.gather [hbm4b:s2+s6], $0x80, $0x38;
	[tilespmem:$0x1EB00] =	vst v63  }
0x28: {  	_ =	swait.ge [sflag:s16], $0x80  }
0x29: {  	[sflag:s16] =	ssyncset.done $0x0  }
0x2a: {  	[sflag:s16] =	ssyncadd.s32 $0xFFFFFF80  }
0x2b: {  	s26 =	simm.s32 $0x0;
	[bflag:$0x0] =	sbarrier.arrive $0xFFFF  }
0x2c: {  	[tilespmem:s21], [sflag:$0x1] =	stream.indirect.gather [hbm4b:s1+s20], $0x80, s26, s20, $0xb8;
	[tilespmem:$0x1EB00] =	vst v63  }
0x2d: {  	_ =	swait.ge [sflag:s22], $0x2800  }
0x2e: {  	[sflag:s22] =	ssyncset.done $0x0  }
0x2f: {  	s31 =	simm.s32 $0x4000;
	[sflag:s22] =	ssyncadd.s32 $0xFFFFD800  }
0x30: {  	[spmem:s3] =	stream.indirect.scatter.add.f32 [tilespmem:s21], [sflag:$0x2], $0x80, s31, s20, $0xb8;
	[tilespmem:$0x1EB00] =	vst v63  }
0x31: {  	_ =	swait.ge [sflag:s16], $0x2800  }
0x32: {  	[sflag:s16] =	ssyncset.done $0x0  }
0x33: {  	[sflag:s16] =	ssyncadd.s32 $0xFFFFD800  }
0x34: {  	[spmem:s4] =	stream.indirect.scatter.add.f32 [tilespmem:s19], [sflag:$0x2], $0x1, s31, s20, $0xb8;
	[tilespmem:$0x1EB00] =	vst v63  }
0x35: {  	_ =	swait.ge [sflag:s16], $0x50  }
0x36: {  	s28 =	simm.s32 $0x400;
	s26 =	simm.s32 $0x200;
	[sflag:s16] =	ssyncset.done $0x0  }
.LBB2_2:
0x37: {  	s29 =	sshra.s32 s26, $0x2  }
0x38: {  	[sflag:s16] =	ssyncadd.s32 $0xFFFFFFB0;
	s26 =	smov.u32 s28;
	s30 =	sadd.s32 $0x200, s28  }
0x39: {  	[tilespmem:s21], [sflag:$0x1] =	stream.indirect.gather [hbm4b:s1+s20], $0x80, s29, s20, $0xb8;
	[tilespmem:$0x1EB00] =	vst v63  }
0x3a: {  	p0 =	sne.s32 s28, $0xF800;
	_ =	swait.ge [sflag:s22], $0x2800  }
0x3b: {  	[sflag:s22] =	ssyncset.done $0x0  }
0x3c: {  	s28 =	sadd.s32 $0x4000, s29;
	[sflag:s22] =	ssyncadd.s32 $0xFFFFD800  }
0x3d: {  	[spmem:s3] =	stream.indirect.scatter.add.f32 [tilespmem:s21], [sflag:$0x2], $0x80, s28, s20, $0xb8;
	[tilespmem:$0x1EB00] =	vst v63  }
0x3e: {  	_ =	swait.ge [sflag:s16], $0x2800  }
.Ltmp0:
0x3f: {  	[sflag:s16] =	ssyncset.done $0x0;
	(pc) =	sbr.rel @p0 .LBB2_2-.Ltmp0, $4  }
0x40: {  	[sflag:s16] =	ssyncadd.s32 $0xFFFFD800  }
0x41: {  	[spmem:s4] =	stream.indirect.scatter.add.f32 [tilespmem:s19], [sflag:$0x2], $0x1, s28, s20, $0xb8;
	[tilespmem:$0x1EB00] =	vst v63  }
0x42: {  	_ =	swait.ge [sflag:s16], $0x50  }
0x43: {  	s28 =	smov.u32 s30;
	[sflag:s16] =	ssyncset.done $0x0  }
0x44: {  	s26 =	sshra.s32 s26, $0x2;
	[sflag:s16] =	ssyncadd.s32 $0xFFFFFFB0  }
0x45: {  	[tilespmem:s21], [sflag:$0x1] =	stream.indirect.gather [hbm4b:s1+s20], $0x80, s26, s20, $0xb8;
	[tilespmem:$0x1EB00] =	vst v63  }
0x46: {  	_ =	swait.ge [sflag:s22], $0x2800  }
0x47: {  	[sflag:s22] =	ssyncset.done $0x0  }
0x48: {  	s26 =	sadd.s32 $0x4000, s26;
	[sflag:s22] =	ssyncadd.s32 $0xFFFFD800  }
0x49: {  	[spmem:s3] =	stream.indirect.scatter.add.f32 [tilespmem:s21], [sflag:$0x2], $0x80, s26, s20, $0xb8;
	[tilespmem:$0x1EB00] =	vst v63  }
0x4a: {  	_ =	swait.ge [sflag:s16], $0x2800  }
0x4b: {  	[sflag:s16] =	ssyncset.done $0x0  }
0x4c: {  	[sflag:s16] =	ssyncadd.s32 $0xFFFFD800  }
0x4d: {  	[spmem:s4] =	stream.indirect.scatter.add.f32 [tilespmem:s19], [sflag:$0x2], $0x1, s26, s20, $0xb8;
	[tilespmem:$0x1EB00] =	vst v63  }
0x4e: {  	_ =	swait.ge [sflag:s16], $0x50  }
0x4f: {  	[sflag:s16] =	ssyncset.done $0x0  }
0x50: {  	[sflag:s16] =	ssyncadd.s32 $0xFFFFFFB0  }
0x51: {  	[bflag:$0x0] =	sbarrier.arrive $0xFFFF  }
0x52: {  	[hbm:s12], [sflag:s9] =	dma.local [spmem:s15], $0x2800  }
0x53: {  	s25 =	sadd.s32 $0x1, s25;
	_ =	swait.ge [sflag:s16], $0x2800  }
0x54: {  	p0 =	sne.s32 s25, s14;
	[sflag:s16] =	ssyncset.done $0x0  }
.Ltmp1:
0x55: {  	[sflag:s16] =	ssyncadd.s32 $0xFFFFD800;
	(pc) =	sbr.rel @p0 .LBB2_1-.Ltmp1, $4  }
0x56: {  	[hbm:s13@s23], [sflag:s9] =	dma.strided [spmem:s17@s24], $0x50, s22, $0x10   }
0x57: {  	_ =	swait.ge [sflag:s16], $0x50  }
0x58: {  	[sflag:s16] =	ssyncset.done $0x0  }
0x59: {  	[sflag:s16] =	ssyncadd.s32 $0xFFFFFFB0  }
0x5a: {  	_ =	sfence.sel $0x180000  }
0x5b: {  	[bflag:$0x0] =	sbarrier.arrive $0xFFFF  }
0x5c: {  	p0 =	sne.s32 s5, $0x0;
	_ =	strace $0x90000047  }
0x5d: {  	s0 =	sadd.s32 @!p0 $0x100000, s0;
	[bflag:$0x2] =	sbarrier.arrive $0xFFFF  }
0x5e: {  	[sflag:s0] =	ssyncadd.tile.s32 @!p0 $0x1;
	_ =	shalt  }
.Lfunc_end2:
_tile_overlayer_lowered:
.L_overlay_start_2:
0x5f: {  	(tag) =	ssettag $0x2  }
0x60: {  	s0 =	rddreg [dreg:$0x0];
	s2 =	stileid.u32  }
0x61: {  	s1 =	rddreg [dreg:$0x1];
	p0 =	sne.s32 s2, $0x0  }
0x62: {  	s3 =	rddreg [dreg:$0x2];
	[bflag:$0x3] =	sbarrier.arrive $0xFFFF;
	s2 =	simm.s32 @!p0 $0x1C02  }
0x63: {  	[timem:s3], [sflag:s2] =	dma.local @!p0 [hbm:s0], s1  }
0x64: {  	s0 =	simm.s32 @!p0 $0x2  }
0x65: {  	_ =	swait.ge @!p0 [sflag:s0], s1  }
0x66: {  	s1 =	ssub.s32 @!p0 $0x0, s1;
	[sflag:s0] =	ssyncset.done @!p0 $0x0  }
0x67: {  	[sflag:s0] =	ssyncadd.s32 @!p0 s1  }
0x68: {  	[bflag:$0x3] =	sbarrier.arrive $0xFFFF  }
0x69: {  	_ =	shalt  }

// kernel: kernel.9.cloned.1.call-start
scs
__scs_entry_jumppad:
0x0: {  	(pc) =	sbr.rel $0x88, $3  }
0x1: {  	(tag) =	ssettag $0x0;
	lr =	simm.s32 $0x1  }
0x2: {  	[smem:$0x3F96] =	sst lr;
	_ =	strace $0xD0000000  }
0x3: {  	_ = 	snop  }
0x4: {  	_ = 	snop  }
0x5: {  	_ = 	snop  }
0x6: {  	_ = 	snop  }
0x7: {  	_ = 	snop  }
__scs_overlays_trampoline_lowered:
0x8: {  	[smem:$0x3FA5] =	sst s0  }
0x9: {  	[smem:$0x3FA6] =	sst s1  }
0xa: {  	[smem:$0x3FA7] =	sst s2  }
0xb: {  	[smem:$0x3FA8] =	sst s3  }
0xc: {  	[smem:$0x3FA9] =	sst s4  }
0xd: {  	[smem:$0x3FAA] =	sst s5  }
0xe: {  	[smem:$0x3FAB] =	sst s6  }
0xf: {  	[smem:$0x3FAC] =	sst s7  }
0x10: {  	[smem:$0x3FAD] =	sst s8  }
0x11: {  	[smem:$0x3FAE] =	sst s9;
	s0 =	simm.s32 @!p0 $0x0  }
0x12: {  	s1 =	sld [smem:$0x3F94];
	s0 =	simm.s32 @p0 $0x1  }
0x13: {  	[smem:$0x3FAF] =	sst s0;
	s0 =	simm.s32 @!p1 $0x0  }
0x14: {  	s2 =	sld [smem:$0x3F93];
	s0 =	simm.s32 @p1 $0x1  }
0x15: {  	[smem:$0x3FB0] =	sst s0;
	s0 =	simm.s32 @!p2 $0x0  }
0x16: {  	s3 =	sld [smem:$0x3FDB];
	s0 =	simm.s32 @p2 $0x1  }
0x17: {  	s4 =	simm.s32 $0x1BF5;
	[smem:$0x3FB2] =	sst s0  }
0x18: {  	s0 =	sld [smem:$0x3F95];
	_ =	swait.ge [sflag:s4], $0x0  }
0x19: {  	s7 =	sld [smem:$0x3F96]  }
0x1a: {  	s8 =	sadd.s32 $0xFFFFE003, lr  }
0x1b: {  	s9 =	sadd.s32 $0xFFFFFEF7, lr;
	s5 =	simm.s32 $0xFFFFFFFF;
	p2 =	slt.u32 s8, $0xFFFFF086  }
0x1c: {  	p1 =	slt.u32 s9, $0xF7A;
	s5 =	simm.s32 @!p2 $0x0  }
0x1d: {  	s5 =	simm.s32 @p1 $0x1;
	p0 =	seq.s32 s7, s2  }
0x1e: {  	s7 =	smul.u32 @!p0 $0xF7A, s2;
	p2 =	seq.s32 @!p0 s5, $0x0  }
0x1f: {  	s9 =	smul.u32 $0xF7A, s1;
	s8 =	simm.s32 @!p0 $0x1BF5;
	p2 =	por !p2, p0  }
0x20: {  	[sflag:s8] =	ssyncset.s32 @!p0 $0xFFFFF086;
	s6 =	sadd.s32 @!p0 s3, s7;
	s7 =	simm.s32 @!p0 $0x108  }
0x21: {  	s3 =	sadd.s32 s3, s9;
	s6 =	sadd.s32 @!p0 $0x88, s6;
	s7 =	simm.s32 @p2 $0x1082  }
0x22: {  	[simem:s7], [sflag:s8] =	dma.local @!p0 [hbm:s6], $0xF7A  }
0x23: {  	s9 =	sor.u32 $0xD0000000, s2;
	s6 =	simm.s32 $0x108;
	_ =	swait.ge @!p0 [sflag:s8], $0x0  }
0x24: {  	s3 =	sadd.s32 $0x88, s3;
	s6 =	simm.s32 @!p1 $0x1082;
	[sflag:s4] =	ssyncset.s32 $0xFFFFF086  }
0x25: {  	[simem:s6], [sflag:s4] =	dma.local [hbm:s3], $0xF7A  }
0x26: {  	[smem:$0x3F96] =	sst s1;
	(tag) =	ssettag s2;
	_ =	strace s9  }
0x27: {  	s1 =	sld [smem:$0x3FA6]  }
0x28: {  	s2 =	sld [smem:$0x3FA7]  }
0x29: {  	s4 =	sld [smem:$0x3FA9]  }
0x2a: {  	p0 =	seq.s32 s5, $0x0;
	s5 =	sld [smem:$0x3FAA]  }
0x2b: {  	s6 =	sld [smem:$0x3FAB]  }
0x2c: {  	s7 =	sld [smem:$0x3FAC]  }
0x2d: {  	s3 =	simm.s32 $0x108;
	s8 =	sld [smem:$0x3FAD]  }
0x2e: {  	s3 =	simm.s32 @!p0 $0x1082;
	s9 =	sld [smem:$0x3FAE]  }
0x2f: {  	lr =	sadd.s32 s0, s3;
	s0 =	sld [smem:$0x3FA5]  }
0x30: {  	s3 =	sld [smem:$0x3FA8]  }
0x31: {  	[smem:$0x3FB1] =	sst s10  }
0x32: {  	s10 =	sld [smem:$0x3FAF];
	_ =	sdelay $0x3  }
0x33: {  	p0 =	seq.s32 s10, $0x1;
	s10 =	sld [smem:$0x3FB1];
	_ =	sdelay $0x3  }
0x34: {  	[smem:$0x3FB1] =	sst s10  }
0x35: {  	s10 =	sld [smem:$0x3FB0];
	_ =	sdelay $0x3  }
0x36: {  	p1 =	seq.s32 s10, $0x1;
	s10 =	sld [smem:$0x3FB1];
	_ =	sdelay $0x3  }
0x37: {  	[smem:$0x3FB1] =	sst s10  }
0x38: {  	s10 =	sld [smem:$0x3FB2]  }
0x39: {  	_ = 	snop;
	(pc) =	sbr.ind lr, $3  }
0x3a: {  	_ = 	snop  }
0x3b: {  	_ = 	snop  }
0x3c: {  	p2 =	seq.s32 s10, $0x1;
	s10 =	sld [smem:$0x3FB1]  }
0x3d: {  	_ =	shalt  }
0x3e: {  	_ =	shalt  }
0x3f: {  	_ =	shalt  }
0x40: {  	_ =	shalt  }
0x41: {  	_ =	shalt  }
0x42: {  	_ =	shalt  }
0x43: {  	_ =	shalt  }
0x44: {  	_ =	shalt  }
0x45: {  	_ =	shalt  }
0x46: {  	_ =	shalt  }
0x47: {  	_ =	shalt  }
0x48: {  	_ =	shalt  }
0x49: {  	_ =	shalt  }
0x4a: {  	_ =	shalt  }
0x4b: {  	_ =	shalt  }
0x4c: {  	_ =	shalt  }
0x4d: {  	_ =	shalt  }
0x4e: {  	_ =	shalt  }
0x4f: {  	_ =	shalt  }
0x50: {  	_ =	shalt  }
0x51: {  	_ =	shalt  }
0x52: {  	_ =	shalt  }
0x53: {  	_ =	shalt  }
0x54: {  	_ =	shalt  }
0x55: {  	_ =	shalt  }
0x56: {  	_ =	shalt  }
0x57: {  	_ =	shalt  }
0x58: {  	_ =	shalt  }
0x59: {  	_ =	shalt  }
0x5a: {  	_ =	shalt  }
0x5b: {  	_ =	shalt  }
0x5c: {  	_ =	shalt  }
0x5d: {  	_ =	shalt  }
0x5e: {  	_ =	shalt  }
0x5f: {  	_ =	shalt  }
0x60: {  	_ =	shalt  }
0x61: {  	_ =	shalt  }
0x62: {  	_ =	shalt  }
0x63: {  	_ =	shalt  }
0x64: {  	_ =	shalt  }
0x65: {  	_ =	shalt  }
0x66: {  	_ =	shalt  }
0x67: {  	_ =	shalt  }
0x68: {  	_ =	shalt  }
0x69: {  	_ =	shalt  }
0x6a: {  	_ =	shalt  }
0x6b: {  	_ =	shalt  }
0x6c: {  	_ =	shalt  }
0x6d: {  	_ =	shalt  }
0x6e: {  	_ =	shalt  }
0x6f: {  	_ =	shalt  }
0x70: {  	_ =	shalt  }
0x71: {  	_ =	shalt  }
0x72: {  	_ =	shalt  }
0x73: {  	_ =	shalt  }
0x74: {  	_ =	shalt  }
0x75: {  	_ =	shalt  }
0x76: {  	_ =	shalt  }
0x77: {  	_ =	shalt  }
0x78: {  	_ =	shalt  }
0x79: {  	_ =	shalt  }
0x7a: {  	_ =	shalt  }
0x7b: {  	_ =	shalt  }
0x7c: {  	_ =	shalt  }
0x7d: {  	_ =	shalt  }
0x7e: {  	_ =	shalt  }
0x7f: {  	_ =	shalt  }
0x80: {  	_ =	shalt  }
0x81: {  	_ =	shalt  }
0x82: {  	_ =	shalt  }
0x83: {  	_ =	shalt  }
0x84: {  	_ =	shalt  }
0x85: {  	_ =	shalt  }
0x86: {  	_ =	shalt  }
0x87: {  	_ =	shalt  }
.Lfunc_end0:
.L_simem_size_0:
called_computation.1_lowered:
.L_overlay_start_0:
0x88: {  	s2 =	sld [smem:$0x3FD9]  }
0x89: {  	s3 =	sld [smem:$0x3FFE];
	_ =	sdelay $0x1  }
0x8a: {  	s1 =	srdreg.scid  }
0x8b: {  	s0 =	sand.u32 $0x1, s1  }
0x8c: {  	s16 =	sshll.u32 s0, $0xA;
	s2 =	sadd.s32 s3, s2  }
0x8d: {  	s2 =	sadd.s32 s2, s16  }
0x8e: {  	[smem:$0x3FBD] =	sst s2  }
0x8f: {  	_ = 	snop  }
0x90: {  	(tm) =	ssettm $0x1  }
0x91: {  	s17 =	sld [smem:$0x3FFB];
	_ =	sdelay $0x3  }
0x92: {  	_ =	strace s17  }
0x93: {  	s2 =	sld [smem:$0x3FFC];
	_ =	sdelay $0x3  }
0x94: {  	_ =	strace s2  }
0x95: {  	s2 =	sld [smem:$0x3FFD];
	_ =	sdelay $0x3  }
0x96: {  	_ =	strace s2  }
0x97: {  	_ =	strace $0x8FFFFFFF  }
0x98: {  	s18 =	sld [smem:$0x3FDB];
	_ =	sdelay $0x1  }
0x99: {  	s19 =	simm.s32 $_scs_section_size  }
0x9a: {  	s4 =	simm.s32 $_size__tile_overlayer_lowered;
	s5 =	simm.s32 $_tile_overlayer_lowered  }
0x9b: {  	s22 =	simm.s32 $0x1BFF;
	s21 =	sshll.u32 s5, $0x1;
	s2 =	sadd.s32 s19, s18  }
0x9c: {  	s6 =	simm.s32 $0x0;
	s20 =	sshll.u32 s4, $0x1;
	s4 =	sadd.s32 s21, s2  }
0x9d: {  	[timem:s6], [sflag:s22] =	dma.local [hbm:s4], s20  }
0x9e: {  	_ =	swait.ge [sflag:s22], s20  }
0x9f: {  	s3 =	ssub.s32 $0x0, s20;
	[sflag:s22] =	ssyncset.done $0x0  }
0xa0: {  	[sflag:s22] =	ssyncadd.s32 s3;
	_ =	sdelay $0x1  }
0xa1: {  	s23 =	simm.s32 $0x1B8B  }
0xa2: {  	_ =	swait.ge [sflag:s23], $0x1  }
0xa3: {  	[sflag:s23] =	ssyncset.done $0x0  }
0xa4: {  	s25 =	simm.s32 $0x1B8E;
	s24 =	sld [smem:$0x3FFE];
	[sflag:s23] =	ssyncadd.s32 $0xFFFFFFFF  }
0xa5: {  	s26 =	simm.s32 $execute0_lowered;
	[smem:$0x3FD2] =	sst s25  }
0xa6: {  	s4 =	sshll.u32 s26, $0x1;
	_ =	strace $0x80000049;
	[dreg:$0x1] =	wrdreg $0xFFFFFFFF  }
0xa7: {  	s28 =	simm.s32 $_size_execute0_lowered;
	s2 =	sadd.s32 s2, s4;
	[dreg:$0x0] =	wrdreg $0x0  }
0xa8: {  	s4 =	sshll.u32 s28, $0x1;
	[dreg:$0x2] =	wrdreg s2  }
0xa9: {  	[dreg:$0x3] =	wrdreg s4  }
0xaa: {  	[dreg:$0x4] =	wrdreg $0xC0  }
0xab: {  	_ =	task [dreg:s6], $0x5FFFF  }
0xac: {  	[dreg:$0x1] =	wrdreg $0xFFFFFFFF  }
0xad: {  	[dreg:$0x0] =	wrdreg $0x60  }
0xae: {  	[dreg:$0x2] =	wrdreg s24  }
0xaf: {  	[dreg:$0x3] =	wrdreg $0xA8800  }
0xb0: {  	[dreg:$0x4] =	wrdreg $0x1E8800  }
0xb1: {  	[dreg:$0x5] =	wrdreg $0x9  }
0xb2: {  	_ =	task.clear_ibuf [dreg:s6], $0x6FFFF;
	_ =	strace $0x90000049  }
0xb3: {  	s29 =	simm.s32 $0x9;
	_ =	strace $0x8000004B  }
0xb4: {  	_ =	swait.ge [sflag:s29], $0x1  }
0xb5: {  	[sflag:s29] =	ssyncadd.s32 $0xFFFFFFFF  }
0xb6: {  	_ =	strace $0x9000004B  }
0xb7: {  	_ =	sfence  }
0xb8: {  	s30 =	sld [smem:$0x0];
	_ =	sdelay $0x2  }
0xb9: {  	s31 =	sshll.u32 s1, $0xD;
	s1 =	sshrl.u32 s1, $0x2  }
0xba: {  	s3 =	sand.u32 $0x4000, s31;
	s1 =	sadd.s32 s1, s30  }
0xbb: {  	s0 =	sor.u32 s3, s0;
	s1 =	sshll.u32 s1, $0x11  }
0xbc: {  	s0 =	sor.u32 s1, s0  }
0xbd: {  	s0 =	sadd.s32 $0x8F2B, s0  }
0xbe: {  	[sflag:s0] =	ssyncadd.remote.s32 $0x1  }
0xbf: {  	_ =	sfence.sel $0xFFFF  }
0xc0: {  	[dreg:$0x0] =	wrdreg $0xFFFFFFFF;
	(pc) =	sbr.abs _section_cstart, $3  }
0xc1: {  	[dreg:$0x1] =	wrdreg $0xFFFFFFFF  }
0xc2: {  	_ =	task.clear_ibuf [dreg:s6], $0x2FFFF;
	_ =	strace $0x9FFFFFFF  }
0xc3: {  	(tm) =	ssettm $0x7FFFFFFF  }
tec
execute0_lowered:
.L_overlay_start_1:
0x0: {  	(tag) =	ssettag $0x1  }
0x1: {  	s9 =	rddreg [dreg:$0x0]  }
0x2: {  	s1 =	rddreg [dreg:$0x1]  }
0x3: {  	s3 =	rddreg [dreg:$0x2]  }
0x4: {  	s0 =	rddreg [dreg:$0x3];
	s5 =	srdreg.scid  }
0x5: {  	s4 =	simm.s32 $0x0;
	s2 =	stileid.u32;
	s19 =	simm.s32 $0x50  }
0x6: {  	s20 =	simm.s32 $0x8000;
	s21 =	simm.s32 $0xA800;
	s8 =	smul.u32 $0x14000, s2  }
0x7: {  	s22 =	simm.s32 $0x1;
	s23 =	simm.s32 $0x2;
	s12 =	smul.u32 $0x500, s2  }
0x8: {  	s24 =	simm.s32 $0x20;
	s10 =	sand.u32 $0x1, s5;
	s25 =	smul.u32 $0x50000, s2  }
0x9: {  	s6 =	sshll.u32 s2, $0xB;
	[smem:$0x7FF] =	sst s4;
	s28 =	smul.u32 $0xA00, s2  }
0xa: {  	s30 =	sshll.u32 s2, $0x6;
	s5 =	sshll.u32 s10, $0xF;
	s7 =	smul.u32 $0x140000, s10  }
0xb: {  	_ =	strace $0x8000004A;
	s14 =	sshll.u32 s10, $0x7;
	s10 =	ssub.s32 $0x2, s10  }
0xc: {  	s5 =	sor.u32 s6, s5;
	s6 =	sadd.s32 $0x22C00, s9;
	s12 =	sor.u32 s14, s12  }
0xd: {  	s26 =	sshrl.u32 s10, $0x1;
	s29 =	sshrl.u32 s25, $0x2;
	s31 =	sshrl.u32 s28, $0x2  }
0xe: {  	s25 =	simm.s32 $0x10;
	s11 =	sadd.s32 s5, s9;
	s5 =	sadd.s32 $0x25A00, s9  }
0xf: {  	s8 =	sadd.s32 s8, s7;
	s7 =	sadd.s32 $0x23200, s9;
	s12 =	sshrl.u32 s12, $0x3  }
0x10: {  	s16 =	ssub.s32 s10, s26;
	s17 =	sadd.s32 s29, s1;
	s18 =	sadd.s32 s31, s3  }
0x11: {  	s26 =	simm.s32 $0x0;
	s13 =	sshrl.u32 s8, $0x3;
	s8 =	sadd.s32 $0x22A00, s9  }
0x12: {  	s15 =	sadd.s32 s12, s9;
	s10 =	sadd.s32 $0x12A00, s11;
	s11 =	sadd.s32 $0x2A00, s11  }
0x13: {  	s14 =	smax.u32 s16, $0x1;
	s16 =	simm.s32 $0x3;
	s13 =	sadd.s32 s13, s9  }
0x14: {  	s9 =	sor.u32 $0x1C03, s30;
	s12 =	sadd.s32 $0x4E400, s13;
	s13 =	sadd.s32 $0x4DA00, s15  }
0x15: {  	s15 =	sshrl.u32 s17, $0x3;
	s17 =	sshrl.u32 s18, $0x3;
	s18 =	simm.s32 $0x4000  }
.LBB2_1:
0x16: {  	[spmem:s15], [sflag:s9] =	dma.local [hbm:s7], $0x2800  }
0x17: {  	_ =	swait.ge [sflag:s16], $0x2800  }
0x18: {  	[sflag:s16] =	ssyncset.done $0x0  }
0x19: {  	[sflag:s16] =	ssyncadd.s32 $0xFFFFD800  }
0x1a: {  	[spmem:s17], [sflag:s9] =	dma.local [hbm:s8], $0x50  }
0x1b: {  	_ =	swait.ge [sflag:s16], $0x50  }
0x1c: {  	[sflag:s16] =	ssyncset.done $0x0  }
0x1d: {  	[sflag:s16] =	ssyncadd.s32 $0xFFFFFFB0  }
0x1e: {  	[tilespmem:s4], [sflag:$0x3] =	stream.linear.gather [hbm4b:s10+s4], $0x3E80, $0x38;
	[tilespmem:$0x1EB00] =	vst v63  }
0x1f: {  	_ =	swait.ge [sflag:s16], $0x3E80  }
0x20: {  	[sflag:s16] =	ssyncset.done $0x0  }
0x21: {  	[sflag:s16] =	ssyncadd.s32 $0xFFFFC180  }
0x22: {  	[tilespmem:s18], [sflag:$0x3] =	stream.linear.gather [hbm4b:s11+s4], $0x3E80, $0x38;
	[tilespmem:$0x1EB00] =	vst v63  }
0x23: {  	_ =	swait.ge [sflag:s16], $0x3E80  }
0x24: {  	[sflag:s16] =	ssyncset.done $0x0  }
0x25: {  	[sflag:s16] =	ssyncadd.s32 $0xFFFFC180  }
0x26: {  	s28 =	simm.s32 $0x0;
	[bflag:$0x0] =	sbarrier.arrive $0xFFFF  }
0x27: {  	[tilespmem:s20], [sflag:$0x1] =	stream.indirect.gather [hbm4b:s5+s19], $0x80, s28, s19, $0xb8;
	[tilespmem:$0x1EB00] =	vst v63  }
0x28: {  	s29 =	simm.s32 $0x4000  }
0x29: {  	[tilespmem:s21], [sflag:$0x2] =	stream.indirect.gather [hbm4b:s6+s19], $0x1, s29, s19, $0xb8;
	[tilespmem:$0x1EB00] =	vst v63  }
0x2a: {  	_ =	swait.ge [sflag:s22], $0x2800  }
0x2b: {  	[sflag:s22] =	ssyncset.done $0x0  }
0x2c: {  	[sflag:s22] =	ssyncadd.s32 $0xFFFFD800  }
0x2d: {  	[spmem:s1] =	stream.indirect.scatter.add.f32 [tilespmem:s20], [sflag:$0x3], $0x80, s29, s19, $0xb8;
	[tilespmem:$0x1EB00] =	vst v63  }
0x2e: {  	_ =	swait.ge [sflag:s16], $0x2800  }
0x2f: {  	[sflag:s16] =	ssyncset.done $0x0  }
0x30: {  	[sflag:s16] =	ssyncadd.s32 $0xFFFFD800  }
0x31: {  	_ =	swait.ge [sflag:s23], $0x50  }
0x32: {  	[sflag:s23] =	ssyncset.done $0x0  }
0x33: {  	[sflag:s23] =	ssyncadd.s32 $0xFFFFFFB0  }
0x34: {  	[spmem:s3] =	stream.indirect.scatter.add.f32 [tilespmem:s21], [sflag:$0x3], $0x1, s28, s19, $0xb8;
	[tilespmem:$0x1EB00] =	vst v63  }
0x35: {  	_ =	swait.ge [sflag:s16], $0x50  }
0x36: {  	s29 =	simm.s32 $0x400;
	s28 =	simm.s32 $0x200;
	[sflag:s16] =	ssyncset.done $0x0  }
.LBB2_2:
0x37: {  	s30 =	sshra.s32 s28, $0x2  }
0x38: {  	[sflag:s16] =	ssyncadd.s32 $0xFFFFFFB0;
	s28 =	smov.u32 s29;
	s31 =	sadd.s32 $0x200, s29  }
0x39: {  	[tilespmem:s20], [sflag:$0x1] =	stream.indirect.gather [hbm4b:s5+s19], $0x80, s30, s19, $0xb8;
	[tilespmem:$0x1EB00] =	vst v63  }
0x3a: {  	p0 =	sne.s32 s29, $0xF800;
	s29 =	sadd.s32 $0x4000, s30  }
0x3b: {  	[tilespmem:s21], [sflag:$0x2] =	stream.indirect.gather [hbm4b:s6+s19], $0x1, s29, s19, $0xb8;
	[tilespmem:$0x1EB00] =	vst v63  }
0x3c: {  	_ =	swait.ge [sflag:s22], $0x2800  }
0x3d: {  	[sflag:s22] =	ssyncset.done $0x0  }
0x3e: {  	[sflag:s22] =	ssyncadd.s32 $0xFFFFD800  }
0x3f: {  	[spmem:s1] =	stream.indirect.scatter.add.f32 [tilespmem:s20], [sflag:$0x3], $0x80, s29, s19, $0xb8;
	[tilespmem:$0x1EB00] =	vst v63  }
0x40: {  	_ =	swait.ge [sflag:s16], $0x2800  }
0x41: {  	[sflag:s16] =	ssyncset.done $0x0  }
0x42: {  	[sflag:s16] =	ssyncadd.s32 $0xFFFFD800  }
0x43: {  	_ =	swait.ge [sflag:s23], $0x50  }
.Ltmp0:
0x44: {  	[sflag:s23] =	ssyncset.done $0x0;
	(pc) =	sbr.rel @p0 .LBB2_2-.Ltmp0, $4  }
0x45: {  	[sflag:s23] =	ssyncadd.s32 $0xFFFFFFB0  }
0x46: {  	[spmem:s3] =	stream.indirect.scatter.add.f32 [tilespmem:s21], [sflag:$0x3], $0x1, s30, s19, $0xb8;
	[tilespmem:$0x1EB00] =	vst v63  }
0x47: {  	_ =	swait.ge [sflag:s16], $0x50  }
0x48: {  	s29 =	smov.u32 s31;
	[sflag:s16] =	ssyncset.done $0x0  }
0x49: {  	s28 =	sshra.s32 s28, $0x2;
	[sflag:s16] =	ssyncadd.s32 $0xFFFFFFB0  }
0x4a: {  	[tilespmem:s20], [sflag:$0x1] =	stream.indirect.gather [hbm4b:s5+s19], $0x80, s28, s19, $0xb8;
	[tilespmem:$0x1EB00] =	vst v63  }
0x4b: {  	s29 =	sadd.s32 $0x4000, s28  }
0x4c: {  	[tilespmem:s21], [sflag:$0x2] =	stream.indirect.gather [hbm4b:s6+s19], $0x1, s29, s19, $0xb8;
	[tilespmem:$0x1EB00] =	vst v63  }
0x4d: {  	_ =	swait.ge [sflag:s22], $0x2800  }
0x4e: {  	[sflag:s22] =	ssyncset.done $0x0  }
0x4f: {  	[sflag:s22] =	ssyncadd.s32 $0xFFFFD800  }
0x50: {  	[spmem:s1] =	stream.indirect.scatter.add.f32 [tilespmem:s20], [sflag:$0x3], $0x80, s29, s19, $0xb8;
	[tilespmem:$0x1EB00] =	vst v63  }
0x51: {  	_ =	swait.ge [sflag:s16], $0x2800  }
0x52: {  	[sflag:s16] =	ssyncset.done $0x0  }
0x53: {  	[sflag:s16] =	ssyncadd.s32 $0xFFFFD800  }
0x54: {  	_ =	swait.ge [sflag:s23], $0x50  }
0x55: {  	[sflag:s23] =	ssyncset.done $0x0  }
0x56: {  	[sflag:s23] =	ssyncadd.s32 $0xFFFFFFB0  }
0x57: {  	[spmem:s3] =	stream.indirect.scatter.add.f32 [tilespmem:s21], [sflag:$0x3], $0x1, s28, s19, $0xb8;
	[tilespmem:$0x1EB00] =	vst v63  }
0x58: {  	_ =	swait.ge [sflag:s16], $0x50  }
0x59: {  	[sflag:s16] =	ssyncset.done $0x0  }
0x5a: {  	[sflag:s16] =	ssyncadd.s32 $0xFFFFFFB0  }
0x5b: {  	[bflag:$0x0] =	sbarrier.arrive $0xFFFF  }
0x5c: {  	[hbm:s12], [sflag:s9] =	dma.local [spmem:s15], $0x2800  }
0x5d: {  	s26 =	sadd.s32 $0x1, s26;
	_ =	swait.ge [sflag:s16], $0x2800  }
0x5e: {  	p0 =	sne.s32 s26, s14;
	[sflag:s16] =	ssyncset.done $0x0  }
.Ltmp1:
0x5f: {  	[sflag:s16] =	ssyncadd.s32 $0xFFFFD800;
	(pc) =	sbr.rel @p0 .LBB2_1-.Ltmp1, $4  }
0x60: {  	[hbm:s13@s24], [sflag:s9] =	dma.strided [spmem:s17@s25], $0x50, s22, $0x10   }
0x61: {  	_ =	swait.ge [sflag:s16], $0x50  }
0x62: {  	[sflag:s16] =	ssyncset.done $0x0  }
0x63: {  	[sflag:s16] =	ssyncadd.s32 $0xFFFFFFB0  }
0x64: {  	_ =	sfence.sel $0x180000  }
0x65: {  	[bflag:$0x0] =	sbarrier.arrive $0xFFFF  }
0x66: {  	p0 =	sne.s32 s2, $0x0;
	_ =	strace $0x9000004A  }
0x67: {  	s0 =	sadd.s32 @!p0 $0x100000, s0;
	[bflag:$0x2] =	sbarrier.arrive $0xFFFF  }
0x68: {  	[sflag:s0] =	ssyncadd.tile.s32 @!p0 $0x1;
	_ =	shalt  }
.Lfunc_end2:
_tile_overlayer_lowered:
.L_overlay_start_2:
0x69: {  	(tag) =	ssettag $0x2  }
0x6a: {  	s0 =	rddreg [dreg:$0x0];
	s2 =	stileid.u32  }
0x6b: {  	s1 =	rddreg [dreg:$0x1];
	p0 =	sne.s32 s2, $0x0  }
0x6c: {  	s3 =	rddreg [dreg:$0x2];
	[bflag:$0x3] =	sbarrier.arrive $0xFFFF;
	s2 =	simm.s32 @!p0 $0x1C03  }
0x6d: {  	[timem:s3], [sflag:s2] =	dma.local @!p0 [hbm:s0], s1  }
0x6e: {  	s0 =	simm.s32 @!p0 $0x3  }
0x6f: {  	_ =	swait.ge @!p0 [sflag:s0], s1  }
0x70: {  	s1 =	ssub.s32 @!p0 $0x0, s1;
	[sflag:s0] =	ssyncset.done @!p0 $0x0  }
0x71: {  	[sflag:s0] =	ssyncadd.s32 @!p0 s1  }
0x72: {  	[bflag:$0x3] =	sbarrier.arrive $0xFFFF  }
0x73: {  	_ =	shalt  }

</sc_bundles>
